<compile_context>
chip_gen: v7x
topology: tpu7x:2x2x1
jax: 0.10.2.dev20260603
libtpu: 0.0.44.dev20260713+nightly
codegen_flags: <defaults>
</compile_context>

<pallas_src>
import jax
import jax.numpy as jnp
from jax import lax
from jax.experimental import pallas as pl
from jax.experimental.pallas import tpu as pltpu
from jax.experimental.pallas import tpu_sc as plsc

NC = 2
NS = 16
L = 16
NW = NC * NS

BATCH = 16384
D = 64
BPW = BATCH // NW
CH = 256
NCH = BPW // CH
NG = CH // L


def _sc(vec, j):
    return jnp.squeeze(lax.slice(vec, (j,), (j + 1,)))


def _gmf_body(users_hbm, items_hbm, ut_hbm, it_hbm, wb_hbm, out_hbm,
              idx_vu, idx_vi, urows, vrows, wb_v, tscr, out_v, sem):
    wid = lax.axis_index("s") * NC + lax.axis_index("c")
    base = wid * BPW

    pltpu.sync_copy(users_hbm.at[pl.ds(base, BPW)], idx_vu)
    pltpu.sync_copy(items_hbm.at[pl.ds(base, BPW)], idx_vi)
    pltpu.sync_copy(wb_hbm, wb_v)

    lane = lax.iota(jnp.int32, L)
    w0 = wb_v[pl.ds(0, L)]
    w1 = wb_v[pl.ds(L, L)]
    w2 = wb_v[pl.ds(2 * L, L)]
    w3 = wb_v[pl.ds(3 * L, L)]
    bvec = wb_v[pl.ds(4 * L, L)]

    def chunk(ci, _):
        cb = ci * CH

        def fire(g, _):
            uvec = idx_vu[pl.ds(cb + g * L, L)]
            vvec = idx_vi[pl.ds(cb + g * L, L)]
            for r in range(L):
                ru = _sc(uvec, r)
                rv = _sc(vvec, r)
                i = g * L + r
                pltpu.async_copy(ut_hbm.at[pl.ds(ru, 1), :],
                                 urows.at[pl.ds(i, 1), :], sem)
                pltpu.async_copy(it_hbm.at[pl.ds(rv, 1), :],
                                 vrows.at[pl.ds(i, 1), :], sem)
            return _

        lax.fori_loop(0, NG, fire, None)
        pltpu.make_async_copy(ut_hbm.at[pl.ds(0, CH), :], urows, sem).wait()
        pltpu.make_async_copy(it_hbm.at[pl.ds(0, CH), :], vrows, sem).wait()

        def compute(g, _):
            for r in range(L):
                row = g * L + r
                t = urows[row, pl.ds(0, L)] * vrows[row, pl.ds(0, L)] * w0
                t += urows[row, pl.ds(L, L)] * vrows[row, pl.ds(L, L)] * w1
                t += (urows[row, pl.ds(2 * L, L)] * vrows[row, pl.ds(2 * L, L)]
                      * w2)
                t += (urows[row, pl.ds(3 * L, L)] * vrows[row, pl.ds(3 * L, L)]
                      * w3)
                tscr[r, pl.ds(0, L)] = t
            acc = bvec
            for c in range(L):
                col = jnp.full((L,), c, jnp.int32)
                acc = acc + plsc.load_gather(tscr, [lane, col])
            out_v[pl.ds(cb + g * L, L)] = acc
            return _

        lax.fori_loop(0, NG, compute, None)
        return _

    lax.fori_loop(0, NCH, chunk, None)
    pltpu.sync_copy(out_v, out_hbm.at[pl.ds(base, BPW)])


@jax.jit
def _gmf(users, items, user_table, item_table, wb):
    mesh = plsc.VectorSubcoreMesh(
        core_axis_name="c", subcore_axis_name="s",
        num_cores=NC, num_subcores=NS)
    return pl.kernel(
        _gmf_body,
        out_type=jax.ShapeDtypeStruct((BATCH,), jnp.float32),
        mesh=mesh,
        compiler_params=pltpu.CompilerParams(
            needs_layout_passes=False, use_tc_tiling_on_sc=True),
        scratch_types=[
            pltpu.VMEM((BPW,), jnp.int32),
            pltpu.VMEM((BPW,), jnp.int32),
            pltpu.VMEM((CH, D), jnp.float32),
            pltpu.VMEM((CH, D), jnp.float32),
            pltpu.VMEM((5 * L,), jnp.float32),
            pltpu.VMEM((L, 2 * D), jnp.float32),
            pltpu.VMEM((BPW,), jnp.float32),
            pltpu.SemaphoreType.DMA,
        ],
    )(users, items, user_table, item_table, wb)


def kernel(users, items, user_table, item_table, out_w, out_b):
    users = users.astype(jnp.int32)
    items = items.astype(jnp.int32)
    wb = jnp.concatenate(
        [out_w.reshape(D), jnp.broadcast_to(out_b, (L,))]).astype(jnp.float32)
    out = _gmf(users, items, user_table, item_table, wb)
    return out.reshape(BATCH, 1)

# --- scband reference (transcript-rebuilt; emitter-appended) ---
"""Pipeline reference for scband-gmf-64682207478034 (READ-ONLY COPY).

The authoritative reference and input builder live on the scoring server;
editing this copy changes nothing except your own understanding.
"""

import jax, jax.numpy as jnp
import numpy as np

USER_POOL = 1000000
ITEM_POOL = 1000000
LATENT_DIM = 64
BATCH = 16384

def setup_inputs(seed: int = 0) -> dict:
    key = jax.random.key(seed)
    k1, k2, k3, k4, k5, k6 = jax.random.split(key, 6)
    users = jax.random.randint(k1, (BATCH,), 0, USER_POOL, dtype=jnp.int64) if jax.config.jax_enable_x64 else jax.random.randint(k1, (BATCH,), 0, USER_POOL, dtype=jnp.int32)
    items = jax.random.randint(k2, (BATCH,), 0, ITEM_POOL, dtype=jnp.int32)
    user_table = jax.random.normal(k3, (USER_POOL, LATENT_DIM), dtype=jnp.float32)
    item_table = jax.random.normal(k4, (ITEM_POOL, LATENT_DIM), dtype=jnp.float32)
    out_w = jax.random.normal(k5, (1, LATENT_DIM), dtype=jnp.float32) * (1.0 / np.sqrt(LATENT_DIM))
    out_b = jax.random.normal(k6, (1,), dtype=jnp.float32) * 0.01
    return {"users": users, "items": items, "user_table": user_table, "item_table": item_table, "out_w": out_w, "out_b": out_b}

def reference(users, items, user_table, item_table, out_w, out_b):
    u = jnp.take(user_table, users, axis=0)
    v = jnp.take(item_table, items, axis=0)
    haddamard = u * v
    out = haddamard @ out_w.T + out_b
    return out

if __name__ == "__main__":
    import jax
    _d = setup_inputs()
    print(jax.jit(kernel)(*tuple(_d.values())))

</pallas_src>

<mosaic_0001>
#map = affine_map<(d0, d1) -> (0)>
#map1 = affine_map<(d0, d1) -> (0, 0)>
module attributes {stable_mosaic.version = 14 : i64} {
  func.func @_gmf_body(%arg0: i32, %arg1: i32, %arg2: memref<16384xi32, #tpu.memory_space<hbm>>, %arg3: memref<16384xi32, #tpu.memory_space<hbm>>, %arg4: memref<1000000x64xf32, #tpu.memory_space<hbm>>, %arg5: memref<1000000x64xf32, #tpu.memory_space<hbm>>, %arg6: memref<80xf32, #tpu.memory_space<hbm>>, %arg7: memref<16384xf32, #tpu.memory_space<hbm>>, %arg8: memref<512xi32, #tpu.memory_space<vmem>>, %arg9: memref<512xi32, #tpu.memory_space<vmem>>, %arg10: memref<256x64xf32, #tpu.memory_space<vmem>>, %arg11: memref<256x64xf32, #tpu.memory_space<vmem>>, %arg12: memref<80xf32, #tpu.memory_space<vmem>>, %arg13: memref<16x128xf32, #tpu.memory_space<vmem>>, %arg14: memref<512xf32, #tpu.memory_space<vmem>>, %arg15: memref<!tpu.dma_semaphore, #tpu.memory_space<semaphore_mem>>) attributes {dimension_semantics = [#tpu.dimension_semantics<core_parallel>, #tpu.dimension_semantics<subcore_parallel>], iteration_bounds = array<i64: 2, 16>, scalar_prefetch = 0 : i64, scratch_operands = 8 : i64, tpu.core_type = #tpu.core_type<sc_vector_subcore>, window_params = [{transform_indices = #map}, {transform_indices = #map}, {transform_indices = #map1}, {transform_indices = #map1}, {transform_indices = #map}, {transform_indices = #map}]} {
    %mul3A = arith.constant 2 : i32
    %mul3A_0 = arith.muli %arg1, %mul3A : i32
    %add3A = arith.addi %mul3A_0, %arg0 : i32
    %mul3A_1 = arith.constant 512 : i32
    %mul3A_2 = arith.muli %add3A, %mul3A_1 : i32
    "tpu.region"() ({
      %run_scoped3A = tpu.sem_alloc : memref<!tpu.dma_semaphore, #tpu.memory_space<semaphore_mem>>
      %dma_start3A = tpu.memref_slice %arg2[%mul3A_2] : memref<16384xi32, #tpu.memory_space<hbm>> -> memref<512xi32, #tpu.memory_space<hbm>>
      %dma_start3A_16 = tpu.memref_slice %arg2[%mul3A_2] : memref<16384xi32, #tpu.memory_space<hbm>> -> memref<512xi32, #tpu.memory_space<hbm>>
      tpu.enqueue_dma source(%dma_start3A_16 : memref<512xi32, #tpu.memory_space<hbm>>) target(%arg8 : memref<512xi32, #tpu.memory_space<vmem>>) target_semaphore(%run_scoped3A : memref<!tpu.dma_semaphore, #tpu.memory_space<semaphore_mem>>)
      %dma_wait3A = tpu.memref_slice %arg2[%mul3A_2] : memref<16384xi32, #tpu.memory_space<hbm>> -> memref<512xi32, #tpu.memory_space<hbm>>
      %dma_wait3A_17 = tpu.memref_slice %arg2[%mul3A_2] : memref<16384xi32, #tpu.memory_space<hbm>> -> memref<512xi32, #tpu.memory_space<hbm>>
      tpu.wait_dma2 semaphore(%run_scoped3A : memref<!tpu.dma_semaphore, #tpu.memory_space<semaphore_mem>>) src(%dma_wait3A_17 : memref<512xi32, #tpu.memory_space<hbm>>) dst(%arg8 : memref<512xi32, #tpu.memory_space<vmem>>)
      tpu.yield
    }) : () -> ()
    "tpu.region"() ({
      %run_scoped3A = tpu.sem_alloc : memref<!tpu.dma_semaphore, #tpu.memory_space<semaphore_mem>>
      %dma_start3A = tpu.memref_slice %arg3[%mul3A_2] : memref<16384xi32, #tpu.memory_space<hbm>> -> memref<512xi32, #tpu.memory_space<hbm>>
      %dma_start3A_16 = tpu.memref_slice %arg3[%mul3A_2] : memref<16384xi32, #tpu.memory_space<hbm>> -> memref<512xi32, #tpu.memory_space<hbm>>
      tpu.enqueue_dma source(%dma_start3A_16 : memref<512xi32, #tpu.memory_space<hbm>>) target(%arg9 : memref<512xi32, #tpu.memory_space<vmem>>) target_semaphore(%run_scoped3A : memref<!tpu.dma_semaphore, #tpu.memory_space<semaphore_mem>>)
      %dma_wait3A = tpu.memref_slice %arg3[%mul3A_2] : memref<16384xi32, #tpu.memory_space<hbm>> -> memref<512xi32, #tpu.memory_space<hbm>>
      %dma_wait3A_17 = tpu.memref_slice %arg3[%mul3A_2] : memref<16384xi32, #tpu.memory_space<hbm>> -> memref<512xi32, #tpu.memory_space<hbm>>
      tpu.wait_dma2 semaphore(%run_scoped3A : memref<!tpu.dma_semaphore, #tpu.memory_space<semaphore_mem>>) src(%dma_wait3A_17 : memref<512xi32, #tpu.memory_space<hbm>>) dst(%arg9 : memref<512xi32, #tpu.memory_space<vmem>>)
      tpu.yield
    }) : () -> ()
    "tpu.region"() ({
      %run_scoped3A = tpu.sem_alloc : memref<!tpu.dma_semaphore, #tpu.memory_space<semaphore_mem>>
      tpu.enqueue_dma source(%arg6 : memref<80xf32, #tpu.memory_space<hbm>>) target(%arg12 : memref<80xf32, #tpu.memory_space<vmem>>) target_semaphore(%run_scoped3A : memref<!tpu.dma_semaphore, #tpu.memory_space<semaphore_mem>>)
      tpu.wait_dma2 semaphore(%run_scoped3A : memref<!tpu.dma_semaphore, #tpu.memory_space<semaphore_mem>>) src(%arg6 : memref<80xf32, #tpu.memory_space<hbm>>) dst(%arg12 : memref<80xf32, #tpu.memory_space<vmem>>)
      tpu.yield
    }) : () -> ()
    %iota3A = tpu.iota {dimensions = array<i32: 0>} : vector<16xi32>
    %get3A = arith.constant 0 : index
    %get3A_3 = tpu.vector_load %arg12[%get3A] {strides = array<i32>} : memref<80xf32, #tpu.memory_space<vmem>>, vector<16xf32>,
    %get3A_4 = arith.constant 16 : index
    %get3A_5 = tpu.vector_load %arg12[%get3A_4] {strides = array<i32>} : memref<80xf32, #tpu.memory_space<vmem>>, vector<16xf32>,
    %get3A_6 = arith.constant 32 : index
    %get3A_7 = tpu.vector_load %arg12[%get3A_6] {strides = array<i32>} : memref<80xf32, #tpu.memory_space<vmem>>, vector<16xf32>,
    %get3A_8 = arith.constant 48 : index
    %get3A_9 = tpu.vector_load %arg12[%get3A_8] {strides = array<i32>} : memref<80xf32, #tpu.memory_space<vmem>>, vector<16xf32>,
    %get3A_10 = arith.constant 64 : index
    %get3A_11 = tpu.vector_load %arg12[%get3A_10] {strides = array<i32>} : memref<80xf32, #tpu.memory_space<vmem>>, vector<16xf32>,
    %scan3A = arith.constant 0 : i32
    %scan3A_12 = arith.constant 2 : i32
    %scan3A_13 = arith.addi %scan3A, %scan3A_12 : i32
    %scan3A_14 = arith.constant 1 : i32
    scf.for %scan3A_16 = %scan3A to %scan3A_13 step %scan3A_14  : i32 {
      %mul3A_17 = arith.constant 256 : i32
      %mul3A_18 = arith.muli %scan3A_16, %mul3A_17 : i32
      %scan3A_19 = arith.constant 0 : i32
      %scan3A_20 = arith.constant 16 : i32
      %scan3A_21 = arith.addi %scan3A_19, %scan3A_20 : i32
      %scan3A_22 = arith.constant 1 : i32
      scf.for %scan3A_40 = %scan3A_19 to %scan3A_21 step %scan3A_22  : i32 {
        %mul3A_41 = arith.constant 16 : i32
        %mul3A_42 = arith.muli %scan3A_40, %mul3A_41 : i32
        %add3A_43 = arith.addi %mul3A_18, %mul3A_42 : i32
        %get3A_44 = arith.index_cast %add3A_43 : i32 to index
        %get3A_45 = tpu.vector_load %arg8[%get3A_44] {strides = array<i32>} : memref<512xi32, #tpu.memory_space<vmem>>, vector<16xi32>,
        %mul3A_46 = arith.constant 16 : i32
        %mul3A_47 = arith.muli %scan3A_40, %mul3A_46 : i32
        %add3A_48 = arith.addi %mul3A_18, %mul3A_47 : i32
        %get3A_49 = arith.index_cast %add3A_48 : i32 to index
        %get3A_50 = tpu.vector_load %arg9[%get3A_49] {strides = array<i32>} : memref<512xi32, #tpu.memory_space<vmem>>, vector<16xi32>,
        %slice3A = vector.extract_strided_slice %get3A_45 {offsets = [0], sizes = [1], strides = [1]} : vector<16xi32> to vector<1xi32>
        %squeeze3A = vector.extract %slice3A[0] : i32 from vector<1xi32>
        %slice3A_51 = vector.extract_strided_slice %get3A_50 {offsets = [0], sizes = [1], strides = [1]} : vector<16xi32> to vector<1xi32>
        %squeeze3A_52 = vector.extract %slice3A_51[0] : i32 from vector<1xi32>
        %mul3A_53 = arith.constant 16 : i32
        %mul3A_54 = arith.muli %scan3A_40, %mul3A_53 : i32
        %add3A_55 = arith.constant 0 : i32
        %add3A_56 = arith.addi %mul3A_54, %add3A_55 : i32
        %dma_start3A = arith.constant 0 : i32
        %dma_start3A_57 = tpu.memref_slice %arg10[%add3A_56, %dma_start3A] : memref<256x64xf32, #tpu.memory_space<vmem>> -> memref<1x64xf32, #tpu.memory_space<vmem>>
        %dma_start3A_58 = arith.constant 0 : i32
        %dma_start3A_59 = tpu.memref_slice %arg4[%squeeze3A, %dma_start3A_58] : memref<1000000x64xf32, #tpu.memory_space<hbm>> -> memref<1x64xf32, #tpu.memory_space<hbm>>
        %dma_start3A_60 = arith.constant 0 : i32
        %dma_start3A_61 = tpu.memref_slice %arg10[%add3A_56, %dma_start3A_60] : memref<256x64xf32, #tpu.memory_space<vmem>> -> memref<1x64xf32, #tpu.memory_space<vmem>>
        %dma_start3A_62 = arith.constant 0 : i32
        %dma_start3A_63 = tpu.memref_slice %arg4[%squeeze3A, %dma_start3A_62] : memref<1000000x64xf32, #tpu.memory_space<hbm>> -> memref<1x64xf32, #tpu.memory_space<hbm>>
        tpu.enqueue_dma source(%dma_start3A_63 : memref<1x64xf32, #tpu.memory_space<hbm>>) target(%dma_start3A_61 : memref<1x64xf32, #tpu.memory_space<vmem>>) target_semaphore(%arg15 : memref<!tpu.dma_semaphore, #tpu.memory_space<semaphore_mem>>)
        %dma_start3A_64 = arith.constant 0 : i32
        %dma_start3A_65 = tpu.memref_slice %arg11[%add3A_56, %dma_start3A_64] : memref<256x64xf32, #tpu.memory_space<vmem>> -> memref<1x64xf32, #tpu.memory_space<vmem>>
        %dma_start3A_66 = arith.constant 0 : i32
        %dma_start3A_67 = tpu.memref_slice %arg5[%squeeze3A_52, %dma_start3A_66] : memref<1000000x64xf32, #tpu.memory_space<hbm>> -> memref<1x64xf32, #tpu.memory_space<hbm>>
        %dma_start3A_68 = arith.constant 0 : i32
        %dma_start3A_69 = tpu.memref_slice %arg11[%add3A_56, %dma_start3A_68] : memref<256x64xf32, #tpu.memory_space<vmem>> -> memref<1x64xf32, #tpu.memory_space<vmem>>
        %dma_start3A_70 = arith.constant 0 : i32
        %dma_start3A_71 = tpu.memref_slice %arg5[%squeeze3A_52, %dma_start3A_70] : memref<1000000x64xf32, #tpu.memory_space<hbm>> -> memref<1x64xf32, #tpu.memory_space<hbm>>
        tpu.enqueue_dma source(%dma_start3A_71 : memref<1x64xf32, #tpu.memory_space<hbm>>) target(%dma_start3A_69 : memref<1x64xf32, #tpu.memory_space<vmem>>) target_semaphore(%arg15 : memref<!tpu.dma_semaphore, #tpu.memory_space<semaphore_mem>>)
        %slice3A_72 = vector.extract_strided_slice %get3A_45 {offsets = [1], sizes = [1], strides = [1]} : vector<16xi32> to vector<1xi32>
        %squeeze3A_73 = vector.extract %slice3A_72[0] : i32 from vector<1xi32>
        %slice3A_74 = vector.extract_strided_slice %get3A_50 {offsets = [1], sizes = [1], strides = [1]} : vector<16xi32> to vector<1xi32>
        %squeeze3A_75 = vector.extract %slice3A_74[0] : i32 from vector<1xi32>
        %mul3A_76 = arith.constant 16 : i32
        %mul3A_77 = arith.muli %scan3A_40, %mul3A_76 : i32
        %add3A_78 = arith.constant 1 : i32
        %add3A_79 = arith.addi %mul3A_77, %add3A_78 : i32
        %dma_start3A_80 = arith.constant 0 : i32
        %dma_start3A_81 = tpu.memref_slice %arg10[%add3A_79, %dma_start3A_80] : memref<256x64xf32, #tpu.memory_space<vmem>> -> memref<1x64xf32, #tpu.memory_space<vmem>>
        %dma_start3A_82 = arith.constant 0 : i32
        %dma_start3A_83 = tpu.memref_slice %arg4[%squeeze3A_73, %dma_start3A_82] : memref<1000000x64xf32, #tpu.memory_space<hbm>> -> memref<1x64xf32, #tpu.memory_space<hbm>>
        %dma_start3A_84 = arith.constant 0 : i32
        %dma_start3A_85 = tpu.memref_slice %arg10[%add3A_79, %dma_start3A_84] : memref<256x64xf32, #tpu.memory_space<vmem>> -> memref<1x64xf32, #tpu.memory_space<vmem>>
        %dma_start3A_86 = arith.constant 0 : i32
        %dma_start3A_87 = tpu.memref_slice %arg4[%squeeze3A_73, %dma_start3A_86] : memref<1000000x64xf32, #tpu.memory_space<hbm>> -> memref<1x64xf32, #tpu.memory_space<hbm>>
        tpu.enqueue_dma source(%dma_start3A_87 : memref<1x64xf32, #tpu.memory_space<hbm>>) target(%dma_start3A_85 : memref<1x64xf32, #tpu.memory_space<vmem>>) target_semaphore(%arg15 : memref<!tpu.dma_semaphore, #tpu.memory_space<semaphore_mem>>)
        %dma_start3A_88 = arith.constant 0 : i32
        %dma_start3A_89 = tpu.memref_slice %arg11[%add3A_79, %dma_start3A_88] : memref<256x64xf32, #tpu.memory_space<vmem>> -> memref<1x64xf32, #tpu.memory_space<vmem>>
        %dma_start3A_90 = arith.constant 0 : i32
        %dma_start3A_91 = tpu.memref_slice %arg5[%squeeze3A_75, %dma_start3A_90] : memref<1000000x64xf32, #tpu.memory_space<hbm>> -> memref<1x64xf32, #tpu.memory_space<hbm>>
        %dma_start3A_92 = arith.constant 0 : i32
        %dma_start3A_93 = tpu.memref_slice %arg11[%add3A_79, %dma_start3A_92] : memref<256x64xf32, #tpu.memory_space<vmem>> -> memref<1x64xf32, #tpu.memory_space<vmem>>
        %dma_start3A_94 = arith.constant 0 : i32
        %dma_start3A_95 = tpu.memref_slice %arg5[%squeeze3A_75, %dma_start3A_94] : memref<1000000x64xf32, #tpu.memory_space<hbm>> -> memref<1x64xf32, #tpu.memory_space<hbm>>
        tpu.enqueue_dma source(%dma_start3A_95 : memref<1x64xf32, #tpu.memory_space<hbm>>) target(%dma_start3A_93 : memref<1x64xf32, #tpu.memory_space<vmem>>) target_semaphore(%arg15 : memref<!tpu.dma_semaphore, #tpu.memory_space<semaphore_mem>>)
        %slice3A_96 = vector.extract_strided_slice %get3A_45 {offsets = [2], sizes = [1], strides = [1]} : vector<16xi32> to vector<1xi32>
        %squeeze3A_97 = vector.extract %slice3A_96[0] : i32 from vector<1xi32>
        %slice3A_98 = vector.extract_strided_slice %get3A_50 {offsets = [2], sizes = [1], strides = [1]} : vector<16xi32> to vector<1xi32>
        %squeeze3A_99 = vector.extract %slice3A_98[0] : i32 from vector<1xi32>
        %mul3A_100 = arith.constant 16 : i32
        %mul3A_101 = arith.muli %scan3A_40, %mul3A_100 : i32
        %add3A_102 = arith.constant 2 : i32
        %add3A_103 = arith.addi %mul3A_101, %add3A_102 : i32
        %dma_start3A_104 = arith.constant 0 : i32
        %dma_start3A_105 = tpu.memref_slice %arg10[%add3A_103, %dma_start3A_104] : memref<256x64xf32, #tpu.memory_space<vmem>> -> memref<1x64xf32, #tpu.memory_space<vmem>>
        %dma_start3A_106 = arith.constant 0 : i32
        %dma_start3A_107 = tpu.memref_slice %arg4[%squeeze3A_97, %dma_start3A_106] : memref<1000000x64xf32, #tpu.memory_space<hbm>> -> memref<1x64xf32, #tpu.memory_space<hbm>>
        %dma_start3A_108 = arith.constant 0 : i32
        %dma_start3A_109 = tpu.memref_slice %arg10[%add3A_103, %dma_start3A_108] : memref<256x64xf32, #tpu.memory_space<vmem>> -> memref<1x64xf32, #tpu.memory_space<vmem>>
        %dma_start3A_110 = arith.constant 0 : i32
        %dma_start3A_111 = tpu.memref_slice %arg4[%squeeze3A_97, %dma_start3A_110] : memref<1000000x64xf32, #tpu.memory_space<hbm>> -> memref<1x64xf32, #tpu.memory_space<hbm>>
        tpu.enqueue_dma source(%dma_start3A_111 : memref<1x64xf32, #tpu.memory_space<hbm>>) target(%dma_start3A_109 : memref<1x64xf32, #tpu.memory_space<vmem>>) target_semaphore(%arg15 : memref<!tpu.dma_semaphore, #tpu.memory_space<semaphore_mem>>)
        %dma_start3A_112 = arith.constant 0 : i32
        %dma_start3A_113 = tpu.memref_slice %arg11[%add3A_103, %dma_start3A_112] : memref<256x64xf32, #tpu.memory_space<vmem>> -> memref<1x64xf32, #tpu.memory_space<vmem>>
        %dma_start3A_114 = arith.constant 0 : i32
        %dma_start3A_115 = tpu.memref_slice %arg5[%squeeze3A_99, %dma_start3A_114] : memref<1000000x64xf32, #tpu.memory_space<hbm>> -> memref<1x64xf32, #tpu.memory_space<hbm>>
        %dma_start3A_116 = arith.constant 0 : i32
        %dma_start3A_117 = tpu.memref_slice %arg11[%add3A_103, %dma_start3A_116] : memref<256x64xf32, #tpu.memory_space<vmem>> -> memref<1x64xf32, #tpu.memory_space<vmem>>
        %dma_start3A_118 = arith.constant 0 : i32
        %dma_start3A_119 = tpu.memref_slice %arg5[%squeeze3A_99, %dma_start3A_118] : memref<1000000x64xf32, #tpu.memory_space<hbm>> -> memref<1x64xf32, #tpu.memory_space<hbm>>
        tpu.enqueue_dma source(%dma_start3A_119 : memref<1x64xf32, #tpu.memory_space<hbm>>) target(%dma_start3A_117 : memref<1x64xf32, #tpu.memory_space<vmem>>) target_semaphore(%arg15 : memref<!tpu.dma_semaphore, #tpu.memory_space<semaphore_mem>>)
        %slice3A_120 = vector.extract_strided_slice %get3A_45 {offsets = [3], sizes = [1], strides = [1]} : vector<16xi32> to vector<1xi32>
        %squeeze3A_121 = vector.extract %slice3A_120[0] : i32 from vector<1xi32>
        %slice3A_122 = vector.extract_strided_slice %get3A_50 {offsets = [3], sizes = [1], strides = [1]} : vector<16xi32> to vector<1xi32>
        %squeeze3A_123 = vector.extract %slice3A_122[0] : i32 from vector<1xi32>
        %mul3A_124 = arith.constant 16 : i32
        %mul3A_125 = arith.muli %scan3A_40, %mul3A_124 : i32
        %add3A_126 = arith.constant 3 : i32
        %add3A_127 = arith.addi %mul3A_125, %add3A_126 : i32
        %dma_start3A_128 = arith.constant 0 : i32
        %dma_start3A_129 = tpu.memref_slice %arg10[%add3A_127, %dma_start3A_128] : memref<256x64xf32, #tpu.memory_space<vmem>> -> memref<1x64xf32, #tpu.memory_space<vmem>>
        %dma_start3A_130 = arith.constant 0 : i32
        %dma_start3A_131 = tpu.memref_slice %arg4[%squeeze3A_121, %dma_start3A_130] : memref<1000000x64xf32, #tpu.memory_space<hbm>> -> memref<1x64xf32, #tpu.memory_space<hbm>>
        %dma_start3A_132 = arith.constant 0 : i32
        %dma_start3A_133 = tpu.memref_slice %arg10[%add3A_127, %dma_start3A_132] : memref<256x64xf32, #tpu.memory_space<vmem>> -> memref<1x64xf32, #tpu.memory_space<vmem>>
        %dma_start3A_134 = arith.constant 0 : i32
        %dma_start3A_135 = tpu.memref_slice %arg4[%squeeze3A_121, %dma_start3A_134] : memref<1000000x64xf32, #tpu.memory_space<hbm>> -> memref<1x64xf32, #tpu.memory_space<hbm>>
        tpu.enqueue_dma source(%dma_start3A_135 : memref<1x64xf32, #tpu.memory_space<hbm>>) target(%dma_start3A_133 : memref<1x64xf32, #tpu.memory_space<vmem>>) target_semaphore(%arg15 : memref<!tpu.dma_semaphore, #tpu.memory_space<semaphore_mem>>)
        %dma_start3A_136 = arith.constant 0 : i32
        %dma_start3A_137 = tpu.memref_slice %arg11[%add3A_127, %dma_start3A_136] : memref<256x64xf32, #tpu.memory_space<vmem>> -> memref<1x64xf32, #tpu.memory_space<vmem>>
        %dma_start3A_138 = arith.constant 0 : i32
        %dma_start3A_139 = tpu.memref_slice %arg5[%squeeze3A_123, %dma_start3A_138] : memref<1000000x64xf32, #tpu.memory_space<hbm>> -> memref<1x64xf32, #tpu.memory_space<hbm>>
        %dma_start3A_140 = arith.constant 0 : i32
        %dma_start3A_141 = tpu.memref_slice %arg11[%add3A_127, %dma_start3A_140] : memref<256x64xf32, #tpu.memory_space<vmem>> -> memref<1x64xf32, #tpu.memory_space<vmem>>
        %dma_start3A_142 = arith.constant 0 : i32
        %dma_start3A_143 = tpu.memref_slice %arg5[%squeeze3A_123, %dma_start3A_142] : memref<1000000x64xf32, #tpu.memory_space<hbm>> -> memref<1x64xf32, #tpu.memory_space<hbm>>
        tpu.enqueue_dma source(%dma_start3A_143 : memref<1x64xf32, #tpu.memory_space<hbm>>) target(%dma_start3A_141 : memref<1x64xf32, #tpu.memory_space<vmem>>) target_semaphore(%arg15 : memref<!tpu.dma_semaphore, #tpu.memory_space<semaphore_mem>>)
        %slice3A_144 = vector.extract_strided_slice %get3A_45 {offsets = [4], sizes = [1], strides = [1]} : vector<16xi32> to vector<1xi32>
        %squeeze3A_145 = vector.extract %slice3A_144[0] : i32 from vector<1xi32>
        %slice3A_146 = vector.extract_strided_slice %get3A_50 {offsets = [4], sizes = [1], strides = [1]} : vector<16xi32> to vector<1xi32>
        %squeeze3A_147 = vector.extract %slice3A_146[0] : i32 from vector<1xi32>
        %mul3A_148 = arith.constant 16 : i32
        %mul3A_149 = arith.muli %scan3A_40, %mul3A_148 : i32
        %add3A_150 = arith.constant 4 : i32
        %add3A_151 = arith.addi %mul3A_149, %add3A_150 : i32
        %dma_start3A_152 = arith.constant 0 : i32
        %dma_start3A_153 = tpu.memref_slice %arg10[%add3A_151, %dma_start3A_152] : memref<256x64xf32, #tpu.memory_space<vmem>> -> memref<1x64xf32, #tpu.memory_space<vmem>>
        %dma_start3A_154 = arith.constant 0 : i32
        %dma_start3A_155 = tpu.memref_slice %arg4[%squeeze3A_145, %dma_start3A_154] : memref<1000000x64xf32, #tpu.memory_space<hbm>> -> memref<1x64xf32, #tpu.memory_space<hbm>>
        %dma_start3A_156 = arith.constant 0 : i32
        %dma_start3A_157 = tpu.memref_slice %arg10[%add3A_151, %dma_start3A_156] : memref<256x64xf32, #tpu.memory_space<vmem>> -> memref<1x64xf32, #tpu.memory_space<vmem>>
        %dma_start3A_158 = arith.constant 0 : i32
        %dma_start3A_159 = tpu.memref_slice %arg4[%squeeze3A_145, %dma_start3A_158] : memref<1000000x64xf32, #tpu.memory_space<hbm>> -> memref<1x64xf32, #tpu.memory_space<hbm>>
        tpu.enqueue_dma source(%dma_start3A_159 : memref<1x64xf32, #tpu.memory_space<hbm>>) target(%dma_start3A_157 : memref<1x64xf32, #tpu.memory_space<vmem>>) target_semaphore(%arg15 : memref<!tpu.dma_semaphore, #tpu.memory_space<semaphore_mem>>)
        %dma_start3A_160 = arith.constant 0 : i32
        %dma_start3A_161 = tpu.memref_slice %arg11[%add3A_151, %dma_start3A_160] : memref<256x64xf32, #tpu.memory_space<vmem>> -> memref<1x64xf32, #tpu.memory_space<vmem>>
        %dma_start3A_162 = arith.constant 0 : i32
        %dma_start3A_163 = tpu.memref_slice %arg5[%squeeze3A_147, %dma_start3A_162] : memref<1000000x64xf32, #tpu.memory_space<hbm>> -> memref<1x64xf32, #tpu.memory_space<hbm>>
        %dma_start3A_164 = arith.constant 0 : i32
        %dma_start3A_165 = tpu.memref_slice %arg11[%add3A_151, %dma_start3A_164] : memref<256x64xf32, #tpu.memory_space<vmem>> -> memref<1x64xf32, #tpu.memory_space<vmem>>
        %dma_start3A_166 = arith.constant 0 : i32
        %dma_start3A_167 = tpu.memref_slice %arg5[%squeeze3A_147, %dma_start3A_166] : memref<1000000x64xf32, #tpu.memory_space<hbm>> -> memref<1x64xf32, #tpu.memory_space<hbm>>
        tpu.enqueue_dma source(%dma_start3A_167 : memref<1x64xf32, #tpu.memory_space<hbm>>) target(%dma_start3A_165 : memref<1x64xf32, #tpu.memory_space<vmem>>) target_semaphore(%arg15 : memref<!tpu.dma_semaphore, #tpu.memory_space<semaphore_mem>>)
        %slice3A_168 = vector.extract_strided_slice %get3A_45 {offsets = [5], sizes = [1], strides = [1]} : vector<16xi32> to vector<1xi32>
        %squeeze3A_169 = vector.extract %slice3A_168[0] : i32 from vector<1xi32>
        %slice3A_170 = vector.extract_strided_slice %get3A_50 {offsets = [5], sizes = [1], strides = [1]} : vector<16xi32> to vector<1xi32>
        %squeeze3A_171 = vector.extract %slice3A_170[0] : i32 from vector<1xi32>
        %mul3A_172 = arith.constant 16 : i32
        %mul3A_173 = arith.muli %scan3A_40, %mul3A_172 : i32
        %add3A_174 = arith.constant 5 : i32
        %add3A_175 = arith.addi %mul3A_173, %add3A_174 : i32
        %dma_start3A_176 = arith.constant 0 : i32
        %dma_start3A_177 = tpu.memref_slice %arg10[%add3A_175, %dma_start3A_176] : memref<256x64xf32, #tpu.memory_space<vmem>> -> memref<1x64xf32, #tpu.memory_space<vmem>>
        %dma_start3A_178 = arith.constant 0 : i32
        %dma_start3A_179 = tpu.memref_slice %arg4[%squeeze3A_169, %dma_start3A_178] : memref<1000000x64xf32, #tpu.memory_space<hbm>> -> memref<1x64xf32, #tpu.memory_space<hbm>>
        %dma_start3A_180 = arith.constant 0 : i32
        %dma_start3A_181 = tpu.memref_slice %arg10[%add3A_175, %dma_start3A_180] : memref<256x64xf32, #tpu.memory_space<vmem>> -> memref<1x64xf32, #tpu.memory_space<vmem>>
        %dma_start3A_182 = arith.constant 0 : i32
        %dma_start3A_183 = tpu.memref_slice %arg4[%squeeze3A_169, %dma_start3A_182] : memref<1000000x64xf32, #tpu.memory_space<hbm>> -> memref<1x64xf32, #tpu.memory_space<hbm>>
        tpu.enqueue_dma source(%dma_start3A_183 : memref<1x64xf32, #tpu.memory_space<hbm>>) target(%dma_start3A_181 : memref<1x64xf32, #tpu.memory_space<vmem>>) target_semaphore(%arg15 : memref<!tpu.dma_semaphore, #tpu.memory_space<semaphore_mem>>)
        %dma_start3A_184 = arith.constant 0 : i32
        %dma_start3A_185 = tpu.memref_slice %arg11[%add3A_175, %dma_start3A_184] : memref<256x64xf32, #tpu.memory_space<vmem>> -> memref<1x64xf32, #tpu.memory_space<vmem>>
        %dma_start3A_186 = arith.constant 0 : i32
        %dma_start3A_187 = tpu.memref_slice %arg5[%squeeze3A_171, %dma_start3A_186] : memref<1000000x64xf32, #tpu.memory_space<hbm>> -> memref<1x64xf32, #tpu.memory_space<hbm>>
        %dma_start3A_188 = arith.constant 0 : i32
        %dma_start3A_189 = tpu.memref_slice %arg11[%add3A_175, %dma_start3A_188] : memref<256x64xf32, #tpu.memory_space<vmem>> -> memref<1x64xf32, #tpu.memory_space<vmem>>
        %dma_start3A_190 = arith.constant 0 : i32
        %dma_start3A_191 = tpu.memref_slice %arg5[%squeeze3A_171, %dma_start3A_190] : memref<1000000x64xf32, #tpu.memory_space<hbm>> -> memref<1x64xf32, #tpu.memory_space<hbm>>
        tpu.enqueue_dma source(%dma_start3A_191 : memref<1x64xf32, #tpu.memory_space<hbm>>) target(%dma_start3A_189 : memref<1x64xf32, #tpu.memory_space<vmem>>) target_semaphore(%arg15 : memref<!tpu.dma_semaphore, #tpu.memory_space<semaphore_mem>>)
        %slice3A_192 = vector.extract_strided_slice %get3A_45 {offsets = [6], sizes = [1], strides = [1]} : vector<16xi32> to vector<1xi32>
        %squeeze3A_193 = vector.extract %slice3A_192[0] : i32 from vector<1xi32>
        %slice3A_194 = vector.extract_strided_slice %get3A_50 {offsets = [6], sizes = [1], strides = [1]} : vector<16xi32> to vector<1xi32>
        %squeeze3A_195 = vector.extract %slice3A_194[0] : i32 from vector<1xi32>
        %mul3A_196 = arith.constant 16 : i32
        %mul3A_197 = arith.muli %scan3A_40, %mul3A_196 : i32
        %add3A_198 = arith.constant 6 : i32
        %add3A_199 = arith.addi %mul3A_197, %add3A_198 : i32
        %dma_start3A_200 = arith.constant 0 : i32
        %dma_start3A_201 = tpu.memref_slice %arg10[%add3A_199, %dma_start3A_200] : memref<256x64xf32, #tpu.memory_space<vmem>> -> memref<1x64xf32, #tpu.memory_space<vmem>>
        %dma_start3A_202 = arith.constant 0 : i32
        %dma_start3A_203 = tpu.memref_slice %arg4[%squeeze3A_193, %dma_start3A_202] : memref<1000000x64xf32, #tpu.memory_space<hbm>> -> memref<1x64xf32, #tpu.memory_space<hbm>>
        %dma_start3A_204 = arith.constant 0 : i32
        %dma_start3A_205 = tpu.memref_slice %arg10[%add3A_199, %dma_start3A_204] : memref<256x64xf32, #tpu.memory_space<vmem>> -> memref<1x64xf32, #tpu.memory_space<vmem>>
        %dma_start3A_206 = arith.constant 0 : i32
        %dma_start3A_207 = tpu.memref_slice %arg4[%squeeze3A_193, %dma_start3A_206] : memref<1000000x64xf32, #tpu.memory_space<hbm>> -> memref<1x64xf32, #tpu.memory_space<hbm>>
        tpu.enqueue_dma source(%dma_start3A_207 : memref<1x64xf32, #tpu.memory_space<hbm>>) target(%dma_start3A_205 : memref<1x64xf32, #tpu.memory_space<vmem>>) target_semaphore(%arg15 : memref<!tpu.dma_semaphore, #tpu.memory_space<semaphore_mem>>)
        %dma_start3A_208 = arith.constant 0 : i32
        %dma_start3A_209 = tpu.memref_slice %arg11[%add3A_199, %dma_start3A_208] : memref<256x64xf32, #tpu.memory_space<vmem>> -> memref<1x64xf32, #tpu.memory_space<vmem>>
        %dma_start3A_210 = arith.constant 0 : i32
        %dma_start3A_211 = tpu.memref_slice %arg5[%squeeze3A_195, %dma_start3A_210] : memref<1000000x64xf32, #tpu.memory_space<hbm>> -> memref<1x64xf32, #tpu.memory_space<hbm>>
        %dma_start3A_212 = arith.constant 0 : i32
        %dma_start3A_213 = tpu.memref_slice %arg11[%add3A_199, %dma_start3A_212] : memref<256x64xf32, #tpu.memory_space<vmem>> -> memref<1x64xf32, #tpu.memory_space<vmem>>
        %dma_start3A_214 = arith.constant 0 : i32
        %dma_start3A_215 = tpu.memref_slice %arg5[%squeeze3A_195, %dma_start3A_214] : memref<1000000x64xf32, #tpu.memory_space<hbm>> -> memref<1x64xf32, #tpu.memory_space<hbm>>
        tpu.enqueue_dma source(%dma_start3A_215 : memref<1x64xf32, #tpu.memory_space<hbm>>) target(%dma_start3A_213 : memref<1x64xf32, #tpu.memory_space<vmem>>) target_semaphore(%arg15 : memref<!tpu.dma_semaphore, #tpu.memory_space<semaphore_mem>>)
        %slice3A_216 = vector.extract_strided_slice %get3A_45 {offsets = [7], sizes = [1], strides = [1]} : vector<16xi32> to vector<1xi32>
        %squeeze3A_217 = vector.extract %slice3A_216[0] : i32 from vector<1xi32>
        %slice3A_218 = vector.extract_strided_slice %get3A_50 {offsets = [7], sizes = [1], strides = [1]} : vector<16xi32> to vector<1xi32>
        %squeeze3A_219 = vector.extract %slice3A_218[0] : i32 from vector<1xi32>
        %mul3A_220 = arith.constant 16 : i32
        %mul3A_221 = arith.muli %scan3A_40, %mul3A_220 : i32
        %add3A_222 = arith.constant 7 : i32
        %add3A_223 = arith.addi %mul3A_221, %add3A_222 : i32
        %dma_start3A_224 = arith.constant 0 : i32
        %dma_start3A_225 = tpu.memref_slice %arg10[%add3A_223, %dma_start3A_224] : memref<256x64xf32, #tpu.memory_space<vmem>> -> memref<1x64xf32, #tpu.memory_space<vmem>>
        %dma_start3A_226 = arith.constant 0 : i32
        %dma_start3A_227 = tpu.memref_slice %arg4[%squeeze3A_217, %dma_start3A_226] : memref<1000000x64xf32, #tpu.memory_space<hbm>> -> memref<1x64xf32, #tpu.memory_space<hbm>>
        %dma_start3A_228 = arith.constant 0 : i32
        %dma_start3A_229 = tpu.memref_slice %arg10[%add3A_223, %dma_start3A_228] : memref<256x64xf32, #tpu.memory_space<vmem>> -> memref<1x64xf32, #tpu.memory_space<vmem>>
        %dma_start3A_230 = arith.constant 0 : i32
        %dma_start3A_231 = tpu.memref_slice %arg4[%squeeze3A_217, %dma_start3A_230] : memref<1000000x64xf32, #tpu.memory_space<hbm>> -> memref<1x64xf32, #tpu.memory_space<hbm>>
        tpu.enqueue_dma source(%dma_start3A_231 : memref<1x64xf32, #tpu.memory_space<hbm>>) target(%dma_start3A_229 : memref<1x64xf32, #tpu.memory_space<vmem>>) target_semaphore(%arg15 : memref<!tpu.dma_semaphore, #tpu.memory_space<semaphore_mem>>)
        %dma_start3A_232 = arith.constant 0 : i32
        %dma_start3A_233 = tpu.memref_slice %arg11[%add3A_223, %dma_start3A_232] : memref<256x64xf32, #tpu.memory_space<vmem>> -> memref<1x64xf32, #tpu.memory_space<vmem>>
        %dma_start3A_234 = arith.constant 0 : i32
        %dma_start3A_235 = tpu.memref_slice %arg5[%squeeze3A_219, %dma_start3A_234] : memref<1000000x64xf32, #tpu.memory_space<hbm>> -> memref<1x64xf32, #tpu.memory_space<hbm>>
        %dma_start3A_236 = arith.constant 0 : i32
        %dma_start3A_237 = tpu.memref_slice %arg11[%add3A_223, %dma_start3A_236] : memref<256x64xf32, #tpu.memory_space<vmem>> -> memref<1x64xf32, #tpu.memory_space<vmem>>
        %dma_start3A_238 = arith.constant 0 : i32
        %dma_start3A_239 = tpu.memref_slice %arg5[%squeeze3A_219, %dma_start3A_238] : memref<1000000x64xf32, #tpu.memory_space<hbm>> -> memref<1x64xf32, #tpu.memory_space<hbm>>
        tpu.enqueue_dma source(%dma_start3A_239 : memref<1x64xf32, #tpu.memory_space<hbm>>) target(%dma_start3A_237 : memref<1x64xf32, #tpu.memory_space<vmem>>) target_semaphore(%arg15 : memref<!tpu.dma_semaphore, #tpu.memory_space<semaphore_mem>>)
        %slice3A_240 = vector.extract_strided_slice %get3A_45 {offsets = [8], sizes = [1], strides = [1]} : vector<16xi32> to vector<1xi32>
        %squeeze3A_241 = vector.extract %slice3A_240[0] : i32 from vector<1xi32>
        %slice3A_242 = vector.extract_strided_slice %get3A_50 {offsets = [8], sizes = [1], strides = [1]} : vector<16xi32> to vector<1xi32>
        %squeeze3A_243 = vector.extract %slice3A_242[0] : i32 from vector<1xi32>
        %mul3A_244 = arith.constant 16 : i32
        %mul3A_245 = arith.muli %scan3A_40, %mul3A_244 : i32
        %add3A_246 = arith.constant 8 : i32
        %add3A_247 = arith.addi %mul3A_245, %add3A_246 : i32
        %dma_start3A_248 = arith.constant 0 : i32
        %dma_start3A_249 = tpu.memref_slice %arg10[%add3A_247, %dma_start3A_248] : memref<256x64xf32, #tpu.memory_space<vmem>> -> memref<1x64xf32, #tpu.memory_space<vmem>>
        %dma_start3A_250 = arith.constant 0 : i32
        %dma_start3A_251 = tpu.memref_slice %arg4[%squeeze3A_241, %dma_start3A_250] : memref<1000000x64xf32, #tpu.memory_space<hbm>> -> memref<1x64xf32, #tpu.memory_space<hbm>>
        %dma_start3A_252 = arith.constant 0 : i32
        %dma_start3A_253 = tpu.memref_slice %arg10[%add3A_247, %dma_start3A_252] : memref<256x64xf32, #tpu.memory_space<vmem>> -> memref<1x64xf32, #tpu.memory_space<vmem>>
        %dma_start3A_254 = arith.constant 0 : i32
        %dma_start3A_255 = tpu.memref_slice %arg4[%squeeze3A_241, %dma_start3A_254] : memref<1000000x64xf32, #tpu.memory_space<hbm>> -> memref<1x64xf32, #tpu.memory_space<hbm>>
        tpu.enqueue_dma source(%dma_start3A_255 : memref<1x64xf32, #tpu.memory_space<hbm>>) target(%dma_start3A_253 : memref<1x64xf32, #tpu.memory_space<vmem>>) target_semaphore(%arg15 : memref<!tpu.dma_semaphore, #tpu.memory_space<semaphore_mem>>)
        %dma_start3A_256 = arith.constant 0 : i32
        %dma_start3A_257 = tpu.memref_slice %arg11[%add3A_247, %dma_start3A_256] : memref<256x64xf32, #tpu.memory_space<vmem>> -> memref<1x64xf32, #tpu.memory_space<vmem>>
        %dma_start3A_258 = arith.constant 0 : i32
        %dma_start3A_259 = tpu.memref_slice %arg5[%squeeze3A_243, %dma_start3A_258] : memref<1000000x64xf32, #tpu.memory_space<hbm>> -> memref<1x64xf32, #tpu.memory_space<hbm>>
        %dma_start3A_260 = arith.constant 0 : i32
        %dma_start3A_261 = tpu.memref_slice %arg11[%add3A_247, %dma_start3A_260] : memref<256x64xf32, #tpu.memory_space<vmem>> -> memref<1x64xf32, #tpu.memory_space<vmem>>
        %dma_start3A_262 = arith.constant 0 : i32
        %dma_start3A_263 = tpu.memref_slice %arg5[%squeeze3A_243, %dma_start3A_262] : memref<1000000x64xf32, #tpu.memory_space<hbm>> -> memref<1x64xf32, #tpu.memory_space<hbm>>
        tpu.enqueue_dma source(%dma_start3A_263 : memref<1x64xf32, #tpu.memory_space<hbm>>) target(%dma_start3A_261 : memref<1x64xf32, #tpu.memory_space<vmem>>) target_semaphore(%arg15 : memref<!tpu.dma_semaphore, #tpu.memory_space<semaphore_mem>>)
        %slice3A_264 = vector.extract_strided_slice %get3A_45 {offsets = [9], sizes = [1], strides = [1]} : vector<16xi32> to vector<1xi32>
        %squeeze3A_265 = vector.extract %slice3A_264[0] : i32 from vector<1xi32>
        %slice3A_266 = vector.extract_strided_slice %get3A_50 {offsets = [9], sizes = [1], strides = [1]} : vector<16xi32> to vector<1xi32>
        %squeeze3A_267 = vector.extract %slice3A_266[0] : i32 from vector<1xi32>
        %mul3A_268 = arith.constant 16 : i32
        %mul3A_269 = arith.muli %scan3A_40, %mul3A_268 : i32
        %add3A_270 = arith.constant 9 : i32
        %add3A_271 = arith.addi %mul3A_269, %add3A_270 : i32
        %dma_start3A_272 = arith.constant 0 : i32
        %dma_start3A_273 = tpu.memref_slice %arg10[%add3A_271, %dma_start3A_272] : memref<256x64xf32, #tpu.memory_space<vmem>> -> memref<1x64xf32, #tpu.memory_space<vmem>>
        %dma_start3A_274 = arith.constant 0 : i32
        %dma_start3A_275 = tpu.memref_slice %arg4[%squeeze3A_265, %dma_start3A_274] : memref<1000000x64xf32, #tpu.memory_space<hbm>> -> memref<1x64xf32, #tpu.memory_space<hbm>>
        %dma_start3A_276 = arith.constant 0 : i32
        %dma_start3A_277 = tpu.memref_slice %arg10[%add3A_271, %dma_start3A_276] : memref<256x64xf32, #tpu.memory_space<vmem>> -> memref<1x64xf32, #tpu.memory_space<vmem>>
        %dma_start3A_278 = arith.constant 0 : i32
        %dma_start3A_279 = tpu.memref_slice %arg4[%squeeze3A_265, %dma_start3A_278] : memref<1000000x64xf32, #tpu.memory_space<hbm>> -> memref<1x64xf32, #tpu.memory_space<hbm>>
        tpu.enqueue_dma source(%dma_start3A_279 : memref<1x64xf32, #tpu.memory_space<hbm>>) target(%dma_start3A_277 : memref<1x64xf32, #tpu.memory_space<vmem>>) target_semaphore(%arg15 : memref<!tpu.dma_semaphore, #tpu.memory_space<semaphore_mem>>)
        %dma_start3A_280 = arith.constant 0 : i32
        %dma_start3A_281 = tpu.memref_slice %arg11[%add3A_271, %dma_start3A_280] : memref<256x64xf32, #tpu.memory_space<vmem>> -> memref<1x64xf32, #tpu.memory_space<vmem>>
        %dma_start3A_282 = arith.constant 0 : i32
        %dma_start3A_283 = tpu.memref_slice %arg5[%squeeze3A_267, %dma_start3A_282] : memref<1000000x64xf32, #tpu.memory_space<hbm>> -> memref<1x64xf32, #tpu.memory_space<hbm>>
        %dma_start3A_284 = arith.constant 0 : i32
        %dma_start3A_285 = tpu.memref_slice %arg11[%add3A_271, %dma_start3A_284] : memref<256x64xf32, #tpu.memory_space<vmem>> -> memref<1x64xf32, #tpu.memory_space<vmem>>
        %dma_start3A_286 = arith.constant 0 : i32
        %dma_start3A_287 = tpu.memref_slice %arg5[%squeeze3A_267, %dma_start3A_286] : memref<1000000x64xf32, #tpu.memory_space<hbm>> -> memref<1x64xf32, #tpu.memory_space<hbm>>
        tpu.enqueue_dma source(%dma_start3A_287 : memref<1x64xf32, #tpu.memory_space<hbm>>) target(%dma_start3A_285 : memref<1x64xf32, #tpu.memory_space<vmem>>) target_semaphore(%arg15 : memref<!tpu.dma_semaphore, #tpu.memory_space<semaphore_mem>>)
        %slice3A_288 = vector.extract_strided_slice %get3A_45 {offsets = [10], sizes = [1], strides = [1]} : vector<16xi32> to vector<1xi32>
        %squeeze3A_289 = vector.extract %slice3A_288[0] : i32 from vector<1xi32>
        %slice3A_290 = vector.extract_strided_slice %get3A_50 {offsets = [10], sizes = [1], strides = [1]} : vector<16xi32> to vector<1xi32>
        %squeeze3A_291 = vector.extract %slice3A_290[0] : i32 from vector<1xi32>
        %mul3A_292 = arith.constant 16 : i32
        %mul3A_293 = arith.muli %scan3A_40, %mul3A_292 : i32
        %add3A_294 = arith.constant 10 : i32
        %add3A_295 = arith.addi %mul3A_293, %add3A_294 : i32
        %dma_start3A_296 = arith.constant 0 : i32
        %dma_start3A_297 = tpu.memref_slice %arg10[%add3A_295, %dma_start3A_296] : memref<256x64xf32, #tpu.memory_space<vmem>> -> memref<1x64xf32, #tpu.memory_space<vmem>>
        %dma_start3A_298 = arith.constant 0 : i32
        %dma_start3A_299 = tpu.memref_slice %arg4[%squeeze3A_289, %dma_start3A_298] : memref<1000000x64xf32, #tpu.memory_space<hbm>> -> memref<1x64xf32, #tpu.memory_space<hbm>>
        %dma_start3A_300 = arith.constant 0 : i32
        %dma_start3A_301 = tpu.memref_slice %arg10[%add3A_295, %dma_start3A_300] : memref<256x64xf32, #tpu.memory_space<vmem>> -> memref<1x64xf32, #tpu.memory_space<vmem>>
        %dma_start3A_302 = arith.constant 0 : i32
        %dma_start3A_303 = tpu.memref_slice %arg4[%squeeze3A_289, %dma_start3A_302] : memref<1000000x64xf32, #tpu.memory_space<hbm>> -> memref<1x64xf32, #tpu.memory_space<hbm>>
        tpu.enqueue_dma source(%dma_start3A_303 : memref<1x64xf32, #tpu.memory_space<hbm>>) target(%dma_start3A_301 : memref<1x64xf32, #tpu.memory_space<vmem>>) target_semaphore(%arg15 : memref<!tpu.dma_semaphore, #tpu.memory_space<semaphore_mem>>)
        %dma_start3A_304 = arith.constant 0 : i32
        %dma_start3A_305 = tpu.memref_slice %arg11[%add3A_295, %dma_start3A_304] : memref<256x64xf32, #tpu.memory_space<vmem>> -> memref<1x64xf32, #tpu.memory_space<vmem>>
        %dma_start3A_306 = arith.constant 0 : i32
        %dma_start3A_307 = tpu.memref_slice %arg5[%squeeze3A_291, %dma_start3A_306] : memref<1000000x64xf32, #tpu.memory_space<hbm>> -> memref<1x64xf32, #tpu.memory_space<hbm>>
        %dma_start3A_308 = arith.constant 0 : i32
        %dma_start3A_309 = tpu.memref_slice %arg11[%add3A_295, %dma_start3A_308] : memref<256x64xf32, #tpu.memory_space<vmem>> -> memref<1x64xf32, #tpu.memory_space<vmem>>
        %dma_start3A_310 = arith.constant 0 : i32
        %dma_start3A_311 = tpu.memref_slice %arg5[%squeeze3A_291, %dma_start3A_310] : memref<1000000x64xf32, #tpu.memory_space<hbm>> -> memref<1x64xf32, #tpu.memory_space<hbm>>
        tpu.enqueue_dma source(%dma_start3A_311 : memref<1x64xf32, #tpu.memory_space<hbm>>) target(%dma_start3A_309 : memref<1x64xf32, #tpu.memory_space<vmem>>) target_semaphore(%arg15 : memref<!tpu.dma_semaphore, #tpu.memory_space<semaphore_mem>>)
        %slice3A_312 = vector.extract_strided_slice %get3A_45 {offsets = [11], sizes = [1], strides = [1]} : vector<16xi32> to vector<1xi32>
        %squeeze3A_313 = vector.extract %slice3A_312[0] : i32 from vector<1xi32>
        %slice3A_314 = vector.extract_strided_slice %get3A_50 {offsets = [11], sizes = [1], strides = [1]} : vector<16xi32> to vector<1xi32>
        %squeeze3A_315 = vector.extract %slice3A_314[0] : i32 from vector<1xi32>
        %mul3A_316 = arith.constant 16 : i32
        %mul3A_317 = arith.muli %scan3A_40, %mul3A_316 : i32
        %add3A_318 = arith.constant 11 : i32
        %add3A_319 = arith.addi %mul3A_317, %add3A_318 : i32
        %dma_start3A_320 = arith.constant 0 : i32
        %dma_start3A_321 = tpu.memref_slice %arg10[%add3A_319, %dma_start3A_320] : memref<256x64xf32, #tpu.memory_space<vmem>> -> memref<1x64xf32, #tpu.memory_space<vmem>>
        %dma_start3A_322 = arith.constant 0 : i32
        %dma_start3A_323 = tpu.memref_slice %arg4[%squeeze3A_313, %dma_start3A_322] : memref<1000000x64xf32, #tpu.memory_space<hbm>> -> memref<1x64xf32, #tpu.memory_space<hbm>>
        %dma_start3A_324 = arith.constant 0 : i32
        %dma_start3A_325 = tpu.memref_slice %arg10[%add3A_319, %dma_start3A_324] : memref<256x64xf32, #tpu.memory_space<vmem>> -> memref<1x64xf32, #tpu.memory_space<vmem>>
        %dma_start3A_326 = arith.constant 0 : i32
        %dma_start3A_327 = tpu.memref_slice %arg4[%squeeze3A_313, %dma_start3A_326] : memref<1000000x64xf32, #tpu.memory_space<hbm>> -> memref<1x64xf32, #tpu.memory_space<hbm>>
        tpu.enqueue_dma source(%dma_start3A_327 : memref<1x64xf32, #tpu.memory_space<hbm>>) target(%dma_start3A_325 : memref<1x64xf32, #tpu.memory_space<vmem>>) target_semaphore(%arg15 : memref<!tpu.dma_semaphore, #tpu.memory_space<semaphore_mem>>)
        %dma_start3A_328 = arith.constant 0 : i32
        %dma_start3A_329 = tpu.memref_slice %arg11[%add3A_319, %dma_start3A_328] : memref<256x64xf32, #tpu.memory_space<vmem>> -> memref<1x64xf32, #tpu.memory_space<vmem>>
        %dma_start3A_330 = arith.constant 0 : i32
        %dma_start3A_331 = tpu.memref_slice %arg5[%squeeze3A_315, %dma_start3A_330] : memref<1000000x64xf32, #tpu.memory_space<hbm>> -> memref<1x64xf32, #tpu.memory_space<hbm>>
        %dma_start3A_332 = arith.constant 0 : i32
        %dma_start3A_333 = tpu.memref_slice %arg11[%add3A_319, %dma_start3A_332] : memref<256x64xf32, #tpu.memory_space<vmem>> -> memref<1x64xf32, #tpu.memory_space<vmem>>
        %dma_start3A_334 = arith.constant 0 : i32
        %dma_start3A_335 = tpu.memref_slice %arg5[%squeeze3A_315, %dma_start3A_334] : memref<1000000x64xf32, #tpu.memory_space<hbm>> -> memref<1x64xf32, #tpu.memory_space<hbm>>
        tpu.enqueue_dma source(%dma_start3A_335 : memref<1x64xf32, #tpu.memory_space<hbm>>) target(%dma_start3A_333 : memref<1x64xf32, #tpu.memory_space<vmem>>) target_semaphore(%arg15 : memref<!tpu.dma_semaphore, #tpu.memory_space<semaphore_mem>>)
        %slice3A_336 = vector.extract_strided_slice %get3A_45 {offsets = [12], sizes = [1], strides = [1]} : vector<16xi32> to vector<1xi32>
        %squeeze3A_337 = vector.extract %slice3A_336[0] : i32 from vector<1xi32>
        %slice3A_338 = vector.extract_strided_slice %get3A_50 {offsets = [12], sizes = [1], strides = [1]} : vector<16xi32> to vector<1xi32>
        %squeeze3A_339 = vector.extract %slice3A_338[0] : i32 from vector<1xi32>
        %mul3A_340 = arith.constant 16 : i32
        %mul3A_341 = arith.muli %scan3A_40, %mul3A_340 : i32
        %add3A_342 = arith.constant 12 : i32
        %add3A_343 = arith.addi %mul3A_341, %add3A_342 : i32
        %dma_start3A_344 = arith.constant 0 : i32
        %dma_start3A_345 = tpu.memref_slice %arg10[%add3A_343, %dma_start3A_344] : memref<256x64xf32, #tpu.memory_space<vmem>> -> memref<1x64xf32, #tpu.memory_space<vmem>>
        %dma_start3A_346 = arith.constant 0 : i32
        %dma_start3A_347 = tpu.memref_slice %arg4[%squeeze3A_337, %dma_start3A_346] : memref<1000000x64xf32, #tpu.memory_space<hbm>> -> memref<1x64xf32, #tpu.memory_space<hbm>>
        %dma_start3A_348 = arith.constant 0 : i32
        %dma_start3A_349 = tpu.memref_slice %arg10[%add3A_343, %dma_start3A_348] : memref<256x64xf32, #tpu.memory_space<vmem>> -> memref<1x64xf32, #tpu.memory_space<vmem>>
        %dma_start3A_350 = arith.constant 0 : i32
        %dma_start3A_351 = tpu.memref_slice %arg4[%squeeze3A_337, %dma_start3A_350] : memref<1000000x64xf32, #tpu.memory_space<hbm>> -> memref<1x64xf32, #tpu.memory_space<hbm>>
        tpu.enqueue_dma source(%dma_start3A_351 : memref<1x64xf32, #tpu.memory_space<hbm>>) target(%dma_start3A_349 : memref<1x64xf32, #tpu.memory_space<vmem>>) target_semaphore(%arg15 : memref<!tpu.dma_semaphore, #tpu.memory_space<semaphore_mem>>)
        %dma_start3A_352 = arith.constant 0 : i32
        %dma_start3A_353 = tpu.memref_slice %arg11[%add3A_343, %dma_start3A_352] : memref<256x64xf32, #tpu.memory_space<vmem>> -> memref<1x64xf32, #tpu.memory_space<vmem>>
        %dma_start3A_354 = arith.constant 0 : i32
        %dma_start3A_355 = tpu.memref_slice %arg5[%squeeze3A_339, %dma_start3A_354] : memref<1000000x64xf32, #tpu.memory_space<hbm>> -> memref<1x64xf32, #tpu.memory_space<hbm>>
        %dma_start3A_356 = arith.constant 0 : i32
        %dma_start3A_357 = tpu.memref_slice %arg11[%add3A_343, %dma_start3A_356] : memref<256x64xf32, #tpu.memory_space<vmem>> -> memref<1x64xf32, #tpu.memory_space<vmem>>
        %dma_start3A_358 = arith.constant 0 : i32
        %dma_start3A_359 = tpu.memref_slice %arg5[%squeeze3A_339, %dma_start3A_358] : memref<1000000x64xf32, #tpu.memory_space<hbm>> -> memref<1x64xf32, #tpu.memory_space<hbm>>
        tpu.enqueue_dma source(%dma_start3A_359 : memref<1x64xf32, #tpu.memory_space<hbm>>) target(%dma_start3A_357 : memref<1x64xf32, #tpu.memory_space<vmem>>) target_semaphore(%arg15 : memref<!tpu.dma_semaphore, #tpu.memory_space<semaphore_mem>>)
        %slice3A_360 = vector.extract_strided_slice %get3A_45 {offsets = [13], sizes = [1], strides = [1]} : vector<16xi32> to vector<1xi32>
        %squeeze3A_361 = vector.extract %slice3A_360[0] : i32 from vector<1xi32>
        %slice3A_362 = vector.extract_strided_slice %get3A_50 {offsets = [13], sizes = [1], strides = [1]} : vector<16xi32> to vector<1xi32>
        %squeeze3A_363 = vector.extract %slice3A_362[0] : i32 from vector<1xi32>
        %mul3A_364 = arith.constant 16 : i32
        %mul3A_365 = arith.muli %scan3A_40, %mul3A_364 : i32
        %add3A_366 = arith.constant 13 : i32
        %add3A_367 = arith.addi %mul3A_365, %add3A_366 : i32
        %dma_start3A_368 = arith.constant 0 : i32
        %dma_start3A_369 = tpu.memref_slice %arg10[%add3A_367, %dma_start3A_368] : memref<256x64xf32, #tpu.memory_space<vmem>> -> memref<1x64xf32, #tpu.memory_space<vmem>>
        %dma_start3A_370 = arith.constant 0 : i32
        %dma_start3A_371 = tpu.memref_slice %arg4[%squeeze3A_361, %dma_start3A_370] : memref<1000000x64xf32, #tpu.memory_space<hbm>> -> memref<1x64xf32, #tpu.memory_space<hbm>>
        %dma_start3A_372 = arith.constant 0 : i32
        %dma_start3A_373 = tpu.memref_slice %arg10[%add3A_367, %dma_start3A_372] : memref<256x64xf32, #tpu.memory_space<vmem>> -> memref<1x64xf32, #tpu.memory_space<vmem>>
        %dma_start3A_374 = arith.constant 0 : i32
        %dma_start3A_375 = tpu.memref_slice %arg4[%squeeze3A_361, %dma_start3A_374] : memref<1000000x64xf32, #tpu.memory_space<hbm>> -> memref<1x64xf32, #tpu.memory_space<hbm>>
        tpu.enqueue_dma source(%dma_start3A_375 : memref<1x64xf32, #tpu.memory_space<hbm>>) target(%dma_start3A_373 : memref<1x64xf32, #tpu.memory_space<vmem>>) target_semaphore(%arg15 : memref<!tpu.dma_semaphore, #tpu.memory_space<semaphore_mem>>)
        %dma_start3A_376 = arith.constant 0 : i32
        %dma_start3A_377 = tpu.memref_slice %arg11[%add3A_367, %dma_start3A_376] : memref<256x64xf32, #tpu.memory_space<vmem>> -> memref<1x64xf32, #tpu.memory_space<vmem>>
        %dma_start3A_378 = arith.constant 0 : i32
        %dma_start3A_379 = tpu.memref_slice %arg5[%squeeze3A_363, %dma_start3A_378] : memref<1000000x64xf32, #tpu.memory_space<hbm>> -> memref<1x64xf32, #tpu.memory_space<hbm>>
        %dma_start3A_380 = arith.constant 0 : i32
        %dma_start3A_381 = tpu.memref_slice %arg11[%add3A_367, %dma_start3A_380] : memref<256x64xf32, #tpu.memory_space<vmem>> -> memref<1x64xf32, #tpu.memory_space<vmem>>
        %dma_start3A_382 = arith.constant 0 : i32
        %dma_start3A_383 = tpu.memref_slice %arg5[%squeeze3A_363, %dma_start3A_382] : memref<1000000x64xf32, #tpu.memory_space<hbm>> -> memref<1x64xf32, #tpu.memory_space<hbm>>
        tpu.enqueue_dma source(%dma_start3A_383 : memref<1x64xf32, #tpu.memory_space<hbm>>) target(%dma_start3A_381 : memref<1x64xf32, #tpu.memory_space<vmem>>) target_semaphore(%arg15 : memref<!tpu.dma_semaphore, #tpu.memory_space<semaphore_mem>>)
        %slice3A_384 = vector.extract_strided_slice %get3A_45 {offsets = [14], sizes = [1], strides = [1]} : vector<16xi32> to vector<1xi32>
        %squeeze3A_385 = vector.extract %slice3A_384[0] : i32 from vector<1xi32>
        %slice3A_386 = vector.extract_strided_slice %get3A_50 {offsets = [14], sizes = [1], strides = [1]} : vector<16xi32> to vector<1xi32>
        %squeeze3A_387 = vector.extract %slice3A_386[0] : i32 from vector<1xi32>
        %mul3A_388 = arith.constant 16 : i32
        %mul3A_389 = arith.muli %scan3A_40, %mul3A_388 : i32
        %add3A_390 = arith.constant 14 : i32
        %add3A_391 = arith.addi %mul3A_389, %add3A_390 : i32
        %dma_start3A_392 = arith.constant 0 : i32
        %dma_start3A_393 = tpu.memref_slice %arg10[%add3A_391, %dma_start3A_392] : memref<256x64xf32, #tpu.memory_space<vmem>> -> memref<1x64xf32, #tpu.memory_space<vmem>>
        %dma_start3A_394 = arith.constant 0 : i32
        %dma_start3A_395 = tpu.memref_slice %arg4[%squeeze3A_385, %dma_start3A_394] : memref<1000000x64xf32, #tpu.memory_space<hbm>> -> memref<1x64xf32, #tpu.memory_space<hbm>>
        %dma_start3A_396 = arith.constant 0 : i32
        %dma_start3A_397 = tpu.memref_slice %arg10[%add3A_391, %dma_start3A_396] : memref<256x64xf32, #tpu.memory_space<vmem>> -> memref<1x64xf32, #tpu.memory_space<vmem>>
        %dma_start3A_398 = arith.constant 0 : i32
        %dma_start3A_399 = tpu.memref_slice %arg4[%squeeze3A_385, %dma_start3A_398] : memref<1000000x64xf32, #tpu.memory_space<hbm>> -> memref<1x64xf32, #tpu.memory_space<hbm>>
        tpu.enqueue_dma source(%dma_start3A_399 : memref<1x64xf32, #tpu.memory_space<hbm>>) target(%dma_start3A_397 : memref<1x64xf32, #tpu.memory_space<vmem>>) target_semaphore(%arg15 : memref<!tpu.dma_semaphore, #tpu.memory_space<semaphore_mem>>)
        %dma_start3A_400 = arith.constant 0 : i32
        %dma_start3A_401 = tpu.memref_slice %arg11[%add3A_391, %dma_start3A_400] : memref<256x64xf32, #tpu.memory_space<vmem>> -> memref<1x64xf32, #tpu.memory_space<vmem>>
        %dma_start3A_402 = arith.constant 0 : i32
        %dma_start3A_403 = tpu.memref_slice %arg5[%squeeze3A_387, %dma_start3A_402] : memref<1000000x64xf32, #tpu.memory_space<hbm>> -> memref<1x64xf32, #tpu.memory_space<hbm>>
        %dma_start3A_404 = arith.constant 0 : i32
        %dma_start3A_405 = tpu.memref_slice %arg11[%add3A_391, %dma_start3A_404] : memref<256x64xf32, #tpu.memory_space<vmem>> -> memref<1x64xf32, #tpu.memory_space<vmem>>
        %dma_start3A_406 = arith.constant 0 : i32
        %dma_start3A_407 = tpu.memref_slice %arg5[%squeeze3A_387, %dma_start3A_406] : memref<1000000x64xf32, #tpu.memory_space<hbm>> -> memref<1x64xf32, #tpu.memory_space<hbm>>
        tpu.enqueue_dma source(%dma_start3A_407 : memref<1x64xf32, #tpu.memory_space<hbm>>) target(%dma_start3A_405 : memref<1x64xf32, #tpu.memory_space<vmem>>) target_semaphore(%arg15 : memref<!tpu.dma_semaphore, #tpu.memory_space<semaphore_mem>>)
        %slice3A_408 = vector.extract_strided_slice %get3A_45 {offsets = [15], sizes = [1], strides = [1]} : vector<16xi32> to vector<1xi32>
        %squeeze3A_409 = vector.extract %slice3A_408[0] : i32 from vector<1xi32>
        %slice3A_410 = vector.extract_strided_slice %get3A_50 {offsets = [15], sizes = [1], strides = [1]} : vector<16xi32> to vector<1xi32>
        %squeeze3A_411 = vector.extract %slice3A_410[0] : i32 from vector<1xi32>
        %mul3A_412 = arith.constant 16 : i32
        %mul3A_413 = arith.muli %scan3A_40, %mul3A_412 : i32
        %add3A_414 = arith.constant 15 : i32
        %add3A_415 = arith.addi %mul3A_413, %add3A_414 : i32
        %dma_start3A_416 = arith.constant 0 : i32
        %dma_start3A_417 = tpu.memref_slice %arg10[%add3A_415, %dma_start3A_416] : memref<256x64xf32, #tpu.memory_space<vmem>> -> memref<1x64xf32, #tpu.memory_space<vmem>>
        %dma_start3A_418 = arith.constant 0 : i32
        %dma_start3A_419 = tpu.memref_slice %arg4[%squeeze3A_409, %dma_start3A_418] : memref<1000000x64xf32, #tpu.memory_space<hbm>> -> memref<1x64xf32, #tpu.memory_space<hbm>>
        %dma_start3A_420 = arith.constant 0 : i32
        %dma_start3A_421 = tpu.memref_slice %arg10[%add3A_415, %dma_start3A_420] : memref<256x64xf32, #tpu.memory_space<vmem>> -> memref<1x64xf32, #tpu.memory_space<vmem>>
        %dma_start3A_422 = arith.constant 0 : i32
        %dma_start3A_423 = tpu.memref_slice %arg4[%squeeze3A_409, %dma_start3A_422] : memref<1000000x64xf32, #tpu.memory_space<hbm>> -> memref<1x64xf32, #tpu.memory_space<hbm>>
        tpu.enqueue_dma source(%dma_start3A_423 : memref<1x64xf32, #tpu.memory_space<hbm>>) target(%dma_start3A_421 : memref<1x64xf32, #tpu.memory_space<vmem>>) target_semaphore(%arg15 : memref<!tpu.dma_semaphore, #tpu.memory_space<semaphore_mem>>)
        %dma_start3A_424 = arith.constant 0 : i32
        %dma_start3A_425 = tpu.memref_slice %arg11[%add3A_415, %dma_start3A_424] : memref<256x64xf32, #tpu.memory_space<vmem>> -> memref<1x64xf32, #tpu.memory_space<vmem>>
        %dma_start3A_426 = arith.constant 0 : i32
        %dma_start3A_427 = tpu.memref_slice %arg5[%squeeze3A_411, %dma_start3A_426] : memref<1000000x64xf32, #tpu.memory_space<hbm>> -> memref<1x64xf32, #tpu.memory_space<hbm>>
        %dma_start3A_428 = arith.constant 0 : i32
        %dma_start3A_429 = tpu.memref_slice %arg11[%add3A_415, %dma_start3A_428] : memref<256x64xf32, #tpu.memory_space<vmem>> -> memref<1x64xf32, #tpu.memory_space<vmem>>
        %dma_start3A_430 = arith.constant 0 : i32
        %dma_start3A_431 = tpu.memref_slice %arg5[%squeeze3A_411, %dma_start3A_430] : memref<1000000x64xf32, #tpu.memory_space<hbm>> -> memref<1x64xf32, #tpu.memory_space<hbm>>
        tpu.enqueue_dma source(%dma_start3A_431 : memref<1x64xf32, #tpu.memory_space<hbm>>) target(%dma_start3A_429 : memref<1x64xf32, #tpu.memory_space<vmem>>) target_semaphore(%arg15 : memref<!tpu.dma_semaphore, #tpu.memory_space<semaphore_mem>>)
      }
      %scan3A_23 = arith.constant 16 : i32
      %dma_wait3A = arith.constant 0 : i32
      %dma_wait3A_24 = arith.constant 0 : i32
      %dma_wait3A_25 = tpu.memref_slice %arg4[%dma_wait3A, %dma_wait3A_24] : memref<1000000x64xf32, #tpu.memory_space<hbm>> -> memref<256x64xf32, #tpu.memory_space<hbm>>
      %dma_wait3A_26 = arith.constant 0 : i32
      %dma_wait3A_27 = arith.constant 0 : i32
      %dma_wait3A_28 = tpu.memref_slice %arg4[%dma_wait3A_26, %dma_wait3A_27] : memref<1000000x64xf32, #tpu.memory_space<hbm>> -> memref<256x64xf32, #tpu.memory_space<hbm>>
      tpu.wait_dma2 semaphore(%arg15 : memref<!tpu.dma_semaphore, #tpu.memory_space<semaphore_mem>>) src(%dma_wait3A_28 : memref<256x64xf32, #tpu.memory_space<hbm>>) dst(%arg10 : memref<256x64xf32, #tpu.memory_space<vmem>>)
      %dma_wait3A_29 = arith.constant 0 : i32
      %dma_wait3A_30 = arith.constant 0 : i32
      %dma_wait3A_31 = tpu.memref_slice %arg5[%dma_wait3A_29, %dma_wait3A_30] : memref<1000000x64xf32, #tpu.memory_space<hbm>> -> memref<256x64xf32, #tpu.memory_space<hbm>>
      %dma_wait3A_32 = arith.constant 0 : i32
      %dma_wait3A_33 = arith.constant 0 : i32
      %dma_wait3A_34 = tpu.memref_slice %arg5[%dma_wait3A_32, %dma_wait3A_33] : memref<1000000x64xf32, #tpu.memory_space<hbm>> -> memref<256x64xf32, #tpu.memory_space<hbm>>
      tpu.wait_dma2 semaphore(%arg15 : memref<!tpu.dma_semaphore, #tpu.memory_space<semaphore_mem>>) src(%dma_wait3A_34 : memref<256x64xf32, #tpu.memory_space<hbm>>) dst(%arg11 : memref<256x64xf32, #tpu.memory_space<vmem>>)
      %scan3A_35 = arith.constant 0 : i32
      %scan3A_36 = arith.constant 16 : i32
      %scan3A_37 = arith.addi %scan3A_35, %scan3A_36 : i32
      %scan3A_38 = arith.constant 1 : i32
      scf.for %scan3A_40 = %scan3A_35 to %scan3A_37 step %scan3A_38  : i32 {
        %mul3A_41 = arith.constant 16 : i32
        %mul3A_42 = arith.muli %scan3A_40, %mul3A_41 : i32
        %add3A_43 = arith.constant 0 : i32
        %add3A_44 = arith.addi %mul3A_42, %add3A_43 : i32
        %get3A_45 = arith.index_cast %add3A_44 : i32 to index
        %get3A_46 = arith.constant 0 : index
        %get3A_47 = tpu.vector_load %arg10[%get3A_45, %get3A_46] {strides = array<i32>} : memref<256x64xf32, #tpu.memory_space<vmem>>, vector<16xf32>,
        %get3A_48 = arith.index_cast %add3A_44 : i32 to index
        %get3A_49 = arith.constant 0 : index
        %get3A_50 = tpu.vector_load %arg11[%get3A_48, %get3A_49] {strides = array<i32>} : memref<256x64xf32, #tpu.memory_space<vmem>>, vector<16xf32>,
        %mul3A_51 = arith.mulf %get3A_47, %get3A_50 : vector<16xf32>
        %mul3A_52 = arith.mulf %mul3A_51, %get3A_3 : vector<16xf32>
        %get3A_53 = arith.index_cast %add3A_44 : i32 to index
        %get3A_54 = arith.constant 16 : index
        %get3A_55 = tpu.vector_load %arg10[%get3A_53, %get3A_54] {strides = array<i32>} : memref<256x64xf32, #tpu.memory_space<vmem>>, vector<16xf32>,
        %get3A_56 = arith.index_cast %add3A_44 : i32 to index
        %get3A_57 = arith.constant 16 : index
        %get3A_58 = tpu.vector_load %arg11[%get3A_56, %get3A_57] {strides = array<i32>} : memref<256x64xf32, #tpu.memory_space<vmem>>, vector<16xf32>,
        %mul3A_59 = arith.mulf %get3A_55, %get3A_58 : vector<16xf32>
        %mul3A_60 = arith.mulf %mul3A_59, %get3A_5 : vector<16xf32>
        %add3A_61 = arith.addf %mul3A_52, %mul3A_60 : vector<16xf32>
        %get3A_62 = arith.index_cast %add3A_44 : i32 to index
        %get3A_63 = arith.constant 32 : index
        %get3A_64 = tpu.vector_load %arg10[%get3A_62, %get3A_63] {strides = array<i32>} : memref<256x64xf32, #tpu.memory_space<vmem>>, vector<16xf32>,
        %get3A_65 = arith.index_cast %add3A_44 : i32 to index
        %get3A_66 = arith.constant 32 : index
        %get3A_67 = tpu.vector_load %arg11[%get3A_65, %get3A_66] {strides = array<i32>} : memref<256x64xf32, #tpu.memory_space<vmem>>, vector<16xf32>,
        %mul3A_68 = arith.mulf %get3A_64, %get3A_67 : vector<16xf32>
        %mul3A_69 = arith.mulf %mul3A_68, %get3A_7 : vector<16xf32>
        %add3A_70 = arith.addf %add3A_61, %mul3A_69 : vector<16xf32>
        %get3A_71 = arith.index_cast %add3A_44 : i32 to index
        %get3A_72 = arith.constant 48 : index
        %get3A_73 = tpu.vector_load %arg10[%get3A_71, %get3A_72] {strides = array<i32>} : memref<256x64xf32, #tpu.memory_space<vmem>>, vector<16xf32>,
        %get3A_74 = arith.index_cast %add3A_44 : i32 to index
        %get3A_75 = arith.constant 48 : index
        %get3A_76 = tpu.vector_load %arg11[%get3A_74, %get3A_75] {strides = array<i32>} : memref<256x64xf32, #tpu.memory_space<vmem>>, vector<16xf32>,
        %mul3A_77 = arith.mulf %get3A_73, %get3A_76 : vector<16xf32>
        %mul3A_78 = arith.mulf %mul3A_77, %get3A_9 : vector<16xf32>
        %add3A_79 = arith.addf %add3A_70, %mul3A_78 : vector<16xf32>
        %swap3A = arith.constant 0 : i32
        %swap3A_80 = arith.index_cast %swap3A : i32 to index
        %swap3A_81 = arith.constant 0 : index
        %swap3A_82 = tpu.vector_load %arg13[%swap3A_80, %swap3A_81] {strides = array<i32>} : memref<16x128xf32, #tpu.memory_space<vmem>>, vector<16xf32>,
        tpu.vector_store %arg13[%swap3A_80, %swap3A_81], %add3A_79 {strides = array<i32>} : memref<16x128xf32, #tpu.memory_space<vmem>>, vector<16xf32>,
        %mul3A_83 = arith.constant 16 : i32
        %mul3A_84 = arith.muli %scan3A_40, %mul3A_83 : i32
        %add3A_85 = arith.constant 1 : i32
        %add3A_86 = arith.addi %mul3A_84, %add3A_85 : i32
        %get3A_87 = arith.index_cast %add3A_86 : i32 to index
        %get3A_88 = arith.constant 0 : index
        %get3A_89 = tpu.vector_load %arg10[%get3A_87, %get3A_88] {strides = array<i32>} : memref<256x64xf32, #tpu.memory_space<vmem>>, vector<16xf32>,
        %get3A_90 = arith.index_cast %add3A_86 : i32 to index
        %get3A_91 = arith.constant 0 : index
        %get3A_92 = tpu.vector_load %arg11[%get3A_90, %get3A_91] {strides = array<i32>} : memref<256x64xf32, #tpu.memory_space<vmem>>, vector<16xf32>,
        %mul3A_93 = arith.mulf %get3A_89, %get3A_92 : vector<16xf32>
        %mul3A_94 = arith.mulf %mul3A_93, %get3A_3 : vector<16xf32>
        %get3A_95 = arith.index_cast %add3A_86 : i32 to index
        %get3A_96 = arith.constant 16 : index
        %get3A_97 = tpu.vector_load %arg10[%get3A_95, %get3A_96] {strides = array<i32>} : memref<256x64xf32, #tpu.memory_space<vmem>>, vector<16xf32>,
        %get3A_98 = arith.index_cast %add3A_86 : i32 to index
        %get3A_99 = arith.constant 16 : index
        %get3A_100 = tpu.vector_load %arg11[%get3A_98, %get3A_99] {strides = array<i32>} : memref<256x64xf32, #tpu.memory_space<vmem>>, vector<16xf32>,
        %mul3A_101 = arith.mulf %get3A_97, %get3A_100 : vector<16xf32>
        %mul3A_102 = arith.mulf %mul3A_101, %get3A_5 : vector<16xf32>
        %add3A_103 = arith.addf %mul3A_94, %mul3A_102 : vector<16xf32>
        %get3A_104 = arith.index_cast %add3A_86 : i32 to index
        %get3A_105 = arith.constant 32 : index
        %get3A_106 = tpu.vector_load %arg10[%get3A_104, %get3A_105] {strides = array<i32>} : memref<256x64xf32, #tpu.memory_space<vmem>>, vector<16xf32>,
        %get3A_107 = arith.index_cast %add3A_86 : i32 to index
        %get3A_108 = arith.constant 32 : index
        %get3A_109 = tpu.vector_load %arg11[%get3A_107, %get3A_108] {strides = array<i32>} : memref<256x64xf32, #tpu.memory_space<vmem>>, vector<16xf32>,
        %mul3A_110 = arith.mulf %get3A_106, %get3A_109 : vector<16xf32>
        %mul3A_111 = arith.mulf %mul3A_110, %get3A_7 : vector<16xf32>
        %add3A_112 = arith.addf %add3A_103, %mul3A_111 : vector<16xf32>
        %get3A_113 = arith.index_cast %add3A_86 : i32 to index
        %get3A_114 = arith.constant 48 : index
        %get3A_115 = tpu.vector_load %arg10[%get3A_113, %get3A_114] {strides = array<i32>} : memref<256x64xf32, #tpu.memory_space<vmem>>, vector<16xf32>,
        %get3A_116 = arith.index_cast %add3A_86 : i32 to index
        %get3A_117 = arith.constant 48 : index
        %get3A_118 = tpu.vector_load %arg11[%get3A_116, %get3A_117] {strides = array<i32>} : memref<256x64xf32, #tpu.memory_space<vmem>>, vector<16xf32>,
        %mul3A_119 = arith.mulf %get3A_115, %get3A_118 : vector<16xf32>
        %mul3A_120 = arith.mulf %mul3A_119, %get3A_9 : vector<16xf32>
        %add3A_121 = arith.addf %add3A_112, %mul3A_120 : vector<16xf32>
        %swap3A_122 = arith.constant 1 : i32
        %swap3A_123 = arith.index_cast %swap3A_122 : i32 to index
        %swap3A_124 = arith.constant 0 : index
        %swap3A_125 = tpu.vector_load %arg13[%swap3A_123, %swap3A_124] {strides = array<i32>} : memref<16x128xf32, #tpu.memory_space<vmem>>, vector<16xf32>,
        tpu.vector_store %arg13[%swap3A_123, %swap3A_124], %add3A_121 {strides = array<i32>} : memref<16x128xf32, #tpu.memory_space<vmem>>, vector<16xf32>,
        %mul3A_126 = arith.constant 16 : i32
        %mul3A_127 = arith.muli %scan3A_40, %mul3A_126 : i32
        %add3A_128 = arith.constant 2 : i32
        %add3A_129 = arith.addi %mul3A_127, %add3A_128 : i32
        %get3A_130 = arith.index_cast %add3A_129 : i32 to index
        %get3A_131 = arith.constant 0 : index
        %get3A_132 = tpu.vector_load %arg10[%get3A_130, %get3A_131] {strides = array<i32>} : memref<256x64xf32, #tpu.memory_space<vmem>>, vector<16xf32>,
        %get3A_133 = arith.index_cast %add3A_129 : i32 to index
        %get3A_134 = arith.constant 0 : index
        %get3A_135 = tpu.vector_load %arg11[%get3A_133, %get3A_134] {strides = array<i32>} : memref<256x64xf32, #tpu.memory_space<vmem>>, vector<16xf32>,
        %mul3A_136 = arith.mulf %get3A_132, %get3A_135 : vector<16xf32>
        %mul3A_137 = arith.mulf %mul3A_136, %get3A_3 : vector<16xf32>
        %get3A_138 = arith.index_cast %add3A_129 : i32 to index
        %get3A_139 = arith.constant 16 : index
        %get3A_140 = tpu.vector_load %arg10[%get3A_138, %get3A_139] {strides = array<i32>} : memref<256x64xf32, #tpu.memory_space<vmem>>, vector<16xf32>,
        %get3A_141 = arith.index_cast %add3A_129 : i32 to index
        %get3A_142 = arith.constant 16 : index
        %get3A_143 = tpu.vector_load %arg11[%get3A_141, %get3A_142] {strides = array<i32>} : memref<256x64xf32, #tpu.memory_space<vmem>>, vector<16xf32>,
        %mul3A_144 = arith.mulf %get3A_140, %get3A_143 : vector<16xf32>
        %mul3A_145 = arith.mulf %mul3A_144, %get3A_5 : vector<16xf32>
        %add3A_146 = arith.addf %mul3A_137, %mul3A_145 : vector<16xf32>
        %get3A_147 = arith.index_cast %add3A_129 : i32 to index
        %get3A_148 = arith.constant 32 : index
        %get3A_149 = tpu.vector_load %arg10[%get3A_147, %get3A_148] {strides = array<i32>} : memref<256x64xf32, #tpu.memory_space<vmem>>, vector<16xf32>,
        %get3A_150 = arith.index_cast %add3A_129 : i32 to index
        %get3A_151 = arith.constant 32 : index
        %get3A_152 = tpu.vector_load %arg11[%get3A_150, %get3A_151] {strides = array<i32>} : memref<256x64xf32, #tpu.memory_space<vmem>>, vector<16xf32>,
        %mul3A_153 = arith.mulf %get3A_149, %get3A_152 : vector<16xf32>
        %mul3A_154 = arith.mulf %mul3A_153, %get3A_7 : vector<16xf32>
        %add3A_155 = arith.addf %add3A_146, %mul3A_154 : vector<16xf32>
        %get3A_156 = arith.index_cast %add3A_129 : i32 to index
        %get3A_157 = arith.constant 48 : index
        %get3A_158 = tpu.vector_load %arg10[%get3A_156, %get3A_157] {strides = array<i32>} : memref<256x64xf32, #tpu.memory_space<vmem>>, vector<16xf32>,
        %get3A_159 = arith.index_cast %add3A_129 : i32 to index
        %get3A_160 = arith.constant 48 : index
        %get3A_161 = tpu.vector_load %arg11[%get3A_159, %get3A_160] {strides = array<i32>} : memref<256x64xf32, #tpu.memory_space<vmem>>, vector<16xf32>,
        %mul3A_162 = arith.mulf %get3A_158, %get3A_161 : vector<16xf32>
        %mul3A_163 = arith.mulf %mul3A_162, %get3A_9 : vector<16xf32>
        %add3A_164 = arith.addf %add3A_155, %mul3A_163 : vector<16xf32>
        %swap3A_165 = arith.constant 2 : i32
        %swap3A_166 = arith.index_cast %swap3A_165 : i32 to index
        %swap3A_167 = arith.constant 0 : index
        %swap3A_168 = tpu.vector_load %arg13[%swap3A_166, %swap3A_167] {strides = array<i32>} : memref<16x128xf32, #tpu.memory_space<vmem>>, vector<16xf32>,
        tpu.vector_store %arg13[%swap3A_166, %swap3A_167], %add3A_164 {strides = array<i32>} : memref<16x128xf32, #tpu.memory_space<vmem>>, vector<16xf32>,
        %mul3A_169 = arith.constant 16 : i32
        %mul3A_170 = arith.muli %scan3A_40, %mul3A_169 : i32
        %add3A_171 = arith.constant 3 : i32
        %add3A_172 = arith.addi %mul3A_170, %add3A_171 : i32
        %get3A_173 = arith.index_cast %add3A_172 : i32 to index
        %get3A_174 = arith.constant 0 : index
        %get3A_175 = tpu.vector_load %arg10[%get3A_173, %get3A_174] {strides = array<i32>} : memref<256x64xf32, #tpu.memory_space<vmem>>, vector<16xf32>,
        %get3A_176 = arith.index_cast %add3A_172 : i32 to index
        %get3A_177 = arith.constant 0 : index
        %get3A_178 = tpu.vector_load %arg11[%get3A_176, %get3A_177] {strides = array<i32>} : memref<256x64xf32, #tpu.memory_space<vmem>>, vector<16xf32>,
        %mul3A_179 = arith.mulf %get3A_175, %get3A_178 : vector<16xf32>
        %mul3A_180 = arith.mulf %mul3A_179, %get3A_3 : vector<16xf32>
        %get3A_181 = arith.index_cast %add3A_172 : i32 to index
        %get3A_182 = arith.constant 16 : index
        %get3A_183 = tpu.vector_load %arg10[%get3A_181, %get3A_182] {strides = array<i32>} : memref<256x64xf32, #tpu.memory_space<vmem>>, vector<16xf32>,
        %get3A_184 = arith.index_cast %add3A_172 : i32 to index
        %get3A_185 = arith.constant 16 : index
        %get3A_186 = tpu.vector_load %arg11[%get3A_184, %get3A_185] {strides = array<i32>} : memref<256x64xf32, #tpu.memory_space<vmem>>, vector<16xf32>,
        %mul3A_187 = arith.mulf %get3A_183, %get3A_186 : vector<16xf32>
        %mul3A_188 = arith.mulf %mul3A_187, %get3A_5 : vector<16xf32>
        %add3A_189 = arith.addf %mul3A_180, %mul3A_188 : vector<16xf32>
        %get3A_190 = arith.index_cast %add3A_172 : i32 to index
        %get3A_191 = arith.constant 32 : index
        %get3A_192 = tpu.vector_load %arg10[%get3A_190, %get3A_191] {strides = array<i32>} : memref<256x64xf32, #tpu.memory_space<vmem>>, vector<16xf32>,
        %get3A_193 = arith.index_cast %add3A_172 : i32 to index
        %get3A_194 = arith.constant 32 : index
        %get3A_195 = tpu.vector_load %arg11[%get3A_193, %get3A_194] {strides = array<i32>} : memref<256x64xf32, #tpu.memory_space<vmem>>, vector<16xf32>,
        %mul3A_196 = arith.mulf %get3A_192, %get3A_195 : vector<16xf32>
        %mul3A_197 = arith.mulf %mul3A_196, %get3A_7 : vector<16xf32>
        %add3A_198 = arith.addf %add3A_189, %mul3A_197 : vector<16xf32>
        %get3A_199 = arith.index_cast %add3A_172 : i32 to index
        %get3A_200 = arith.constant 48 : index
        %get3A_201 = tpu.vector_load %arg10[%get3A_199, %get3A_200] {strides = array<i32>} : memref<256x64xf32, #tpu.memory_space<vmem>>, vector<16xf32>,
        %get3A_202 = arith.index_cast %add3A_172 : i32 to index
        %get3A_203 = arith.constant 48 : index
        %get3A_204 = tpu.vector_load %arg11[%get3A_202, %get3A_203] {strides = array<i32>} : memref<256x64xf32, #tpu.memory_space<vmem>>, vector<16xf32>,
        %mul3A_205 = arith.mulf %get3A_201, %get3A_204 : vector<16xf32>
        %mul3A_206 = arith.mulf %mul3A_205, %get3A_9 : vector<16xf32>
        %add3A_207 = arith.addf %add3A_198, %mul3A_206 : vector<16xf32>
        %swap3A_208 = arith.constant 3 : i32
        %swap3A_209 = arith.index_cast %swap3A_208 : i32 to index
        %swap3A_210 = arith.constant 0 : index
        %swap3A_211 = tpu.vector_load %arg13[%swap3A_209, %swap3A_210] {strides = array<i32>} : memref<16x128xf32, #tpu.memory_space<vmem>>, vector<16xf32>,
        tpu.vector_store %arg13[%swap3A_209, %swap3A_210], %add3A_207 {strides = array<i32>} : memref<16x128xf32, #tpu.memory_space<vmem>>, vector<16xf32>,
        %mul3A_212 = arith.constant 16 : i32
        %mul3A_213 = arith.muli %scan3A_40, %mul3A_212 : i32
        %add3A_214 = arith.constant 4 : i32
        %add3A_215 = arith.addi %mul3A_213, %add3A_214 : i32
        %get3A_216 = arith.index_cast %add3A_215 : i32 to index
        %get3A_217 = arith.constant 0 : index
        %get3A_218 = tpu.vector_load %arg10[%get3A_216, %get3A_217] {strides = array<i32>} : memref<256x64xf32, #tpu.memory_space<vmem>>, vector<16xf32>,
        %get3A_219 = arith.index_cast %add3A_215 : i32 to index
        %get3A_220 = arith.constant 0 : index
        %get3A_221 = tpu.vector_load %arg11[%get3A_219, %get3A_220] {strides = array<i32>} : memref<256x64xf32, #tpu.memory_space<vmem>>, vector<16xf32>,
        %mul3A_222 = arith.mulf %get3A_218, %get3A_221 : vector<16xf32>
        %mul3A_223 = arith.mulf %mul3A_222, %get3A_3 : vector<16xf32>
        %get3A_224 = arith.index_cast %add3A_215 : i32 to index
        %get3A_225 = arith.constant 16 : index
        %get3A_226 = tpu.vector_load %arg10[%get3A_224, %get3A_225] {strides = array<i32>} : memref<256x64xf32, #tpu.memory_space<vmem>>, vector<16xf32>,
        %get3A_227 = arith.index_cast %add3A_215 : i32 to index
        %get3A_228 = arith.constant 16 : index
        %get3A_229 = tpu.vector_load %arg11[%get3A_227, %get3A_228] {strides = array<i32>} : memref<256x64xf32, #tpu.memory_space<vmem>>, vector<16xf32>,
        %mul3A_230 = arith.mulf %get3A_226, %get3A_229 : vector<16xf32>
        %mul3A_231 = arith.mulf %mul3A_230, %get3A_5 : vector<16xf32>
        %add3A_232 = arith.addf %mul3A_223, %mul3A_231 : vector<16xf32>
        %get3A_233 = arith.index_cast %add3A_215 : i32 to index
        %get3A_234 = arith.constant 32 : index
        %get3A_235 = tpu.vector_load %arg10[%get3A_233, %get3A_234] {strides = array<i32>} : memref<256x64xf32, #tpu.memory_space<vmem>>, vector<16xf32>,
        %get3A_236 = arith.index_cast %add3A_215 : i32 to index
        %get3A_237 = arith.constant 32 : index
        %get3A_238 = tpu.vector_load %arg11[%get3A_236, %get3A_237] {strides = array<i32>} : memref<256x64xf32, #tpu.memory_space<vmem>>, vector<16xf32>,
        %mul3A_239 = arith.mulf %get3A_235, %get3A_238 : vector<16xf32>
        %mul3A_240 = arith.mulf %mul3A_239, %get3A_7 : vector<16xf32>
        %add3A_241 = arith.addf %add3A_232, %mul3A_240 : vector<16xf32>
        %get3A_242 = arith.index_cast %add3A_215 : i32 to index
        %get3A_243 = arith.constant 48 : index
        %get3A_244 = tpu.vector_load %arg10[%get3A_242, %get3A_243] {strides = array<i32>} : memref<256x64xf32, #tpu.memory_space<vmem>>, vector<16xf32>,
        %get3A_245 = arith.index_cast %add3A_215 : i32 to index
        %get3A_246 = arith.constant 48 : index
        %get3A_247 = tpu.vector_load %arg11[%get3A_245, %get3A_246] {strides = array<i32>} : memref<256x64xf32, #tpu.memory_space<vmem>>, vector<16xf32>,
        %mul3A_248 = arith.mulf %get3A_244, %get3A_247 : vector<16xf32>
        %mul3A_249 = arith.mulf %mul3A_248, %get3A_9 : vector<16xf32>
        %add3A_250 = arith.addf %add3A_241, %mul3A_249 : vector<16xf32>
        %swap3A_251 = arith.constant 4 : i32
        %swap3A_252 = arith.index_cast %swap3A_251 : i32 to index
        %swap3A_253 = arith.constant 0 : index
        %swap3A_254 = tpu.vector_load %arg13[%swap3A_252, %swap3A_253] {strides = array<i32>} : memref<16x128xf32, #tpu.memory_space<vmem>>, vector<16xf32>,
        tpu.vector_store %arg13[%swap3A_252, %swap3A_253], %add3A_250 {strides = array<i32>} : memref<16x128xf32, #tpu.memory_space<vmem>>, vector<16xf32>,
        %mul3A_255 = arith.constant 16 : i32
        %mul3A_256 = arith.muli %scan3A_40, %mul3A_255 : i32
        %add3A_257 = arith.constant 5 : i32
        %add3A_258 = arith.addi %mul3A_256, %add3A_257 : i32
        %get3A_259 = arith.index_cast %add3A_258 : i32 to index
        %get3A_260 = arith.constant 0 : index
        %get3A_261 = tpu.vector_load %arg10[%get3A_259, %get3A_260] {strides = array<i32>} : memref<256x64xf32, #tpu.memory_space<vmem>>, vector<16xf32>,
        %get3A_262 = arith.index_cast %add3A_258 : i32 to index
        %get3A_263 = arith.constant 0 : index
        %get3A_264 = tpu.vector_load %arg11[%get3A_262, %get3A_263] {strides = array<i32>} : memref<256x64xf32, #tpu.memory_space<vmem>>, vector<16xf32>,
        %mul3A_265 = arith.mulf %get3A_261, %get3A_264 : vector<16xf32>
        %mul3A_266 = arith.mulf %mul3A_265, %get3A_3 : vector<16xf32>
        %get3A_267 = arith.index_cast %add3A_258 : i32 to index
        %get3A_268 = arith.constant 16 : index
        %get3A_269 = tpu.vector_load %arg10[%get3A_267, %get3A_268] {strides = array<i32>} : memref<256x64xf32, #tpu.memory_space<vmem>>, vector<16xf32>,
        %get3A_270 = arith.index_cast %add3A_258 : i32 to index
        %get3A_271 = arith.constant 16 : index
        %get3A_272 = tpu.vector_load %arg11[%get3A_270, %get3A_271] {strides = array<i32>} : memref<256x64xf32, #tpu.memory_space<vmem>>, vector<16xf32>,
        %mul3A_273 = arith.mulf %get3A_269, %get3A_272 : vector<16xf32>
        %mul3A_274 = arith.mulf %mul3A_273, %get3A_5 : vector<16xf32>
        %add3A_275 = arith.addf %mul3A_266, %mul3A_274 : vector<16xf32>
        %get3A_276 = arith.index_cast %add3A_258 : i32 to index
        %get3A_277 = arith.constant 32 : index
        %get3A_278 = tpu.vector_load %arg10[%get3A_276, %get3A_277] {strides = array<i32>} : memref<256x64xf32, #tpu.memory_space<vmem>>, vector<16xf32>,
        %get3A_279 = arith.index_cast %add3A_258 : i32 to index
        %get3A_280 = arith.constant 32 : index
        %get3A_281 = tpu.vector_load %arg11[%get3A_279, %get3A_280] {strides = array<i32>} : memref<256x64xf32, #tpu.memory_space<vmem>>, vector<16xf32>,
        %mul3A_282 = arith.mulf %get3A_278, %get3A_281 : vector<16xf32>
        %mul3A_283 = arith.mulf %mul3A_282, %get3A_7 : vector<16xf32>
        %add3A_284 = arith.addf %add3A_275, %mul3A_283 : vector<16xf32>
        %get3A_285 = arith.index_cast %add3A_258 : i32 to index
        %get3A_286 = arith.constant 48 : index
        %get3A_287 = tpu.vector_load %arg10[%get3A_285, %get3A_286] {strides = array<i32>} : memref<256x64xf32, #tpu.memory_space<vmem>>, vector<16xf32>,
        %get3A_288 = arith.index_cast %add3A_258 : i32 to index
        %get3A_289 = arith.constant 48 : index
        %get3A_290 = tpu.vector_load %arg11[%get3A_288, %get3A_289] {strides = array<i32>} : memref<256x64xf32, #tpu.memory_space<vmem>>, vector<16xf32>,
        %mul3A_291 = arith.mulf %get3A_287, %get3A_290 : vector<16xf32>
        %mul3A_292 = arith.mulf %mul3A_291, %get3A_9 : vector<16xf32>
        %add3A_293 = arith.addf %add3A_284, %mul3A_292 : vector<16xf32>
        %swap3A_294 = arith.constant 5 : i32
        %swap3A_295 = arith.index_cast %swap3A_294 : i32 to index
        %swap3A_296 = arith.constant 0 : index
        %swap3A_297 = tpu.vector_load %arg13[%swap3A_295, %swap3A_296] {strides = array<i32>} : memref<16x128xf32, #tpu.memory_space<vmem>>, vector<16xf32>,
        tpu.vector_store %arg13[%swap3A_295, %swap3A_296], %add3A_293 {strides = array<i32>} : memref<16x128xf32, #tpu.memory_space<vmem>>, vector<16xf32>,
        %mul3A_298 = arith.constant 16 : i32
        %mul3A_299 = arith.muli %scan3A_40, %mul3A_298 : i32
        %add3A_300 = arith.constant 6 : i32
        %add3A_301 = arith.addi %mul3A_299, %add3A_300 : i32
        %get3A_302 = arith.index_cast %add3A_301 : i32 to index
        %get3A_303 = arith.constant 0 : index
        %get3A_304 = tpu.vector_load %arg10[%get3A_302, %get3A_303] {strides = array<i32>} : memref<256x64xf32, #tpu.memory_space<vmem>>, vector<16xf32>,
        %get3A_305 = arith.index_cast %add3A_301 : i32 to index
        %get3A_306 = arith.constant 0 : index
        %get3A_307 = tpu.vector_load %arg11[%get3A_305, %get3A_306] {strides = array<i32>} : memref<256x64xf32, #tpu.memory_space<vmem>>, vector<16xf32>,
        %mul3A_308 = arith.mulf %get3A_304, %get3A_307 : vector<16xf32>
        %mul3A_309 = arith.mulf %mul3A_308, %get3A_3 : vector<16xf32>
        %get3A_310 = arith.index_cast %add3A_301 : i32 to index
        %get3A_311 = arith.constant 16 : index
        %get3A_312 = tpu.vector_load %arg10[%get3A_310, %get3A_311] {strides = array<i32>} : memref<256x64xf32, #tpu.memory_space<vmem>>, vector<16xf32>,
        %get3A_313 = arith.index_cast %add3A_301 : i32 to index
        %get3A_314 = arith.constant 16 : index
        %get3A_315 = tpu.vector_load %arg11[%get3A_313, %get3A_314] {strides = array<i32>} : memref<256x64xf32, #tpu.memory_space<vmem>>, vector<16xf32>,
        %mul3A_316 = arith.mulf %get3A_312, %get3A_315 : vector<16xf32>
        %mul3A_317 = arith.mulf %mul3A_316, %get3A_5 : vector<16xf32>
        %add3A_318 = arith.addf %mul3A_309, %mul3A_317 : vector<16xf32>
        %get3A_319 = arith.index_cast %add3A_301 : i32 to index
        %get3A_320 = arith.constant 32 : index
        %get3A_321 = tpu.vector_load %arg10[%get3A_319, %get3A_320] {strides = array<i32>} : memref<256x64xf32, #tpu.memory_space<vmem>>, vector<16xf32>,
        %get3A_322 = arith.index_cast %add3A_301 : i32 to index
        %get3A_323 = arith.constant 32 : index
        %get3A_324 = tpu.vector_load %arg11[%get3A_322, %get3A_323] {strides = array<i32>} : memref<256x64xf32, #tpu.memory_space<vmem>>, vector<16xf32>,
        %mul3A_325 = arith.mulf %get3A_321, %get3A_324 : vector<16xf32>
        %mul3A_326 = arith.mulf %mul3A_325, %get3A_7 : vector<16xf32>
        %add3A_327 = arith.addf %add3A_318, %mul3A_326 : vector<16xf32>
        %get3A_328 = arith.index_cast %add3A_301 : i32 to index
        %get3A_329 = arith.constant 48 : index
        %get3A_330 = tpu.vector_load %arg10[%get3A_328, %get3A_329] {strides = array<i32>} : memref<256x64xf32, #tpu.memory_space<vmem>>, vector<16xf32>,
        %get3A_331 = arith.index_cast %add3A_301 : i32 to index
        %get3A_332 = arith.constant 48 : index
        %get3A_333 = tpu.vector_load %arg11[%get3A_331, %get3A_332] {strides = array<i32>} : memref<256x64xf32, #tpu.memory_space<vmem>>, vector<16xf32>,
        %mul3A_334 = arith.mulf %get3A_330, %get3A_333 : vector<16xf32>
        %mul3A_335 = arith.mulf %mul3A_334, %get3A_9 : vector<16xf32>
        %add3A_336 = arith.addf %add3A_327, %mul3A_335 : vector<16xf32>
        %swap3A_337 = arith.constant 6 : i32
        %swap3A_338 = arith.index_cast %swap3A_337 : i32 to index
        %swap3A_339 = arith.constant 0 : index
        %swap3A_340 = tpu.vector_load %arg13[%swap3A_338, %swap3A_339] {strides = array<i32>} : memref<16x128xf32, #tpu.memory_space<vmem>>, vector<16xf32>,
        tpu.vector_store %arg13[%swap3A_338, %swap3A_339], %add3A_336 {strides = array<i32>} : memref<16x128xf32, #tpu.memory_space<vmem>>, vector<16xf32>,
        %mul3A_341 = arith.constant 16 : i32
        %mul3A_342 = arith.muli %scan3A_40, %mul3A_341 : i32
        %add3A_343 = arith.constant 7 : i32
        %add3A_344 = arith.addi %mul3A_342, %add3A_343 : i32
        %get3A_345 = arith.index_cast %add3A_344 : i32 to index
        %get3A_346 = arith.constant 0 : index
        %get3A_347 = tpu.vector_load %arg10[%get3A_345, %get3A_346] {strides = array<i32>} : memref<256x64xf32, #tpu.memory_space<vmem>>, vector<16xf32>,
        %get3A_348 = arith.index_cast %add3A_344 : i32 to index
        %get3A_349 = arith.constant 0 : index
        %get3A_350 = tpu.vector_load %arg11[%get3A_348, %get3A_349] {strides = array<i32>} : memref<256x64xf32, #tpu.memory_space<vmem>>, vector<16xf32>,
        %mul3A_351 = arith.mulf %get3A_347, %get3A_350 : vector<16xf32>
        %mul3A_352 = arith.mulf %mul3A_351, %get3A_3 : vector<16xf32>
        %get3A_353 = arith.index_cast %add3A_344 : i32 to index
        %get3A_354 = arith.constant 16 : index
        %get3A_355 = tpu.vector_load %arg10[%get3A_353, %get3A_354] {strides = array<i32>} : memref<256x64xf32, #tpu.memory_space<vmem>>, vector<16xf32>,
        %get3A_356 = arith.index_cast %add3A_344 : i32 to index
        %get3A_357 = arith.constant 16 : index
        %get3A_358 = tpu.vector_load %arg11[%get3A_356, %get3A_357] {strides = array<i32>} : memref<256x64xf32, #tpu.memory_space<vmem>>, vector<16xf32>,
        %mul3A_359 = arith.mulf %get3A_355, %get3A_358 : vector<16xf32>
        %mul3A_360 = arith.mulf %mul3A_359, %get3A_5 : vector<16xf32>
        %add3A_361 = arith.addf %mul3A_352, %mul3A_360 : vector<16xf32>
        %get3A_362 = arith.index_cast %add3A_344 : i32 to index
        %get3A_363 = arith.constant 32 : index
        %get3A_364 = tpu.vector_load %arg10[%get3A_362, %get3A_363] {strides = array<i32>} : memref<256x64xf32, #tpu.memory_space<vmem>>, vector<16xf32>,
        %get3A_365 = arith.index_cast %add3A_344 : i32 to index
        %get3A_366 = arith.constant 32 : index
        %get3A_367 = tpu.vector_load %arg11[%get3A_365, %get3A_366] {strides = array<i32>} : memref<256x64xf32, #tpu.memory_space<vmem>>, vector<16xf32>,
        %mul3A_368 = arith.mulf %get3A_364, %get3A_367 : vector<16xf32>
        %mul3A_369 = arith.mulf %mul3A_368, %get3A_7 : vector<16xf32>
        %add3A_370 = arith.addf %add3A_361, %mul3A_369 : vector<16xf32>
        %get3A_371 = arith.index_cast %add3A_344 : i32 to index
        %get3A_372 = arith.constant 48 : index
        %get3A_373 = tpu.vector_load %arg10[%get3A_371, %get3A_372] {strides = array<i32>} : memref<256x64xf32, #tpu.memory_space<vmem>>, vector<16xf32>,
        %get3A_374 = arith.index_cast %add3A_344 : i32 to index
        %get3A_375 = arith.constant 48 : index
        %get3A_376 = tpu.vector_load %arg11[%get3A_374, %get3A_375] {strides = array<i32>} : memref<256x64xf32, #tpu.memory_space<vmem>>, vector<16xf32>,
        %mul3A_377 = arith.mulf %get3A_373, %get3A_376 : vector<16xf32>
        %mul3A_378 = arith.mulf %mul3A_377, %get3A_9 : vector<16xf32>
        %add3A_379 = arith.addf %add3A_370, %mul3A_378 : vector<16xf32>
        %swap3A_380 = arith.constant 7 : i32
        %swap3A_381 = arith.index_cast %swap3A_380 : i32 to index
        %swap3A_382 = arith.constant 0 : index
        %swap3A_383 = tpu.vector_load %arg13[%swap3A_381, %swap3A_382] {strides = array<i32>} : memref<16x128xf32, #tpu.memory_space<vmem>>, vector<16xf32>,
        tpu.vector_store %arg13[%swap3A_381, %swap3A_382], %add3A_379 {strides = array<i32>} : memref<16x128xf32, #tpu.memory_space<vmem>>, vector<16xf32>,
        %mul3A_384 = arith.constant 16 : i32
        %mul3A_385 = arith.muli %scan3A_40, %mul3A_384 : i32
        %add3A_386 = arith.constant 8 : i32
        %add3A_387 = arith.addi %mul3A_385, %add3A_386 : i32
        %get3A_388 = arith.index_cast %add3A_387 : i32 to index
        %get3A_389 = arith.constant 0 : index
        %get3A_390 = tpu.vector_load %arg10[%get3A_388, %get3A_389] {strides = array<i32>} : memref<256x64xf32, #tpu.memory_space<vmem>>, vector<16xf32>,
        %get3A_391 = arith.index_cast %add3A_387 : i32 to index
        %get3A_392 = arith.constant 0 : index
        %get3A_393 = tpu.vector_load %arg11[%get3A_391, %get3A_392] {strides = array<i32>} : memref<256x64xf32, #tpu.memory_space<vmem>>, vector<16xf32>,
        %mul3A_394 = arith.mulf %get3A_390, %get3A_393 : vector<16xf32>
        %mul3A_395 = arith.mulf %mul3A_394, %get3A_3 : vector<16xf32>
        %get3A_396 = arith.index_cast %add3A_387 : i32 to index
        %get3A_397 = arith.constant 16 : index
        %get3A_398 = tpu.vector_load %arg10[%get3A_396, %get3A_397] {strides = array<i32>} : memref<256x64xf32, #tpu.memory_space<vmem>>, vector<16xf32>,
        %get3A_399 = arith.index_cast %add3A_387 : i32 to index
        %get3A_400 = arith.constant 16 : index
        %get3A_401 = tpu.vector_load %arg11[%get3A_399, %get3A_400] {strides = array<i32>} : memref<256x64xf32, #tpu.memory_space<vmem>>, vector<16xf32>,
        %mul3A_402 = arith.mulf %get3A_398, %get3A_401 : vector<16xf32>
        %mul3A_403 = arith.mulf %mul3A_402, %get3A_5 : vector<16xf32>
        %add3A_404 = arith.addf %mul3A_395, %mul3A_403 : vector<16xf32>
        %get3A_405 = arith.index_cast %add3A_387 : i32 to index
        %get3A_406 = arith.constant 32 : index
        %get3A_407 = tpu.vector_load %arg10[%get3A_405, %get3A_406] {strides = array<i32>} : memref<256x64xf32, #tpu.memory_space<vmem>>, vector<16xf32>,
        %get3A_408 = arith.index_cast %add3A_387 : i32 to index
        %get3A_409 = arith.constant 32 : index
        %get3A_410 = tpu.vector_load %arg11[%get3A_408, %get3A_409] {strides = array<i32>} : memref<256x64xf32, #tpu.memory_space<vmem>>, vector<16xf32>,
        %mul3A_411 = arith.mulf %get3A_407, %get3A_410 : vector<16xf32>
        %mul3A_412 = arith.mulf %mul3A_411, %get3A_7 : vector<16xf32>
        %add3A_413 = arith.addf %add3A_404, %mul3A_412 : vector<16xf32>
        %get3A_414 = arith.index_cast %add3A_387 : i32 to index
        %get3A_415 = arith.constant 48 : index
        %get3A_416 = tpu.vector_load %arg10[%get3A_414, %get3A_415] {strides = array<i32>} : memref<256x64xf32, #tpu.memory_space<vmem>>, vector<16xf32>,
        %get3A_417 = arith.index_cast %add3A_387 : i32 to index
        %get3A_418 = arith.constant 48 : index
        %get3A_419 = tpu.vector_load %arg11[%get3A_417, %get3A_418] {strides = array<i32>} : memref<256x64xf32, #tpu.memory_space<vmem>>, vector<16xf32>,
        %mul3A_420 = arith.mulf %get3A_416, %get3A_419 : vector<16xf32>
        %mul3A_421 = arith.mulf %mul3A_420, %get3A_9 : vector<16xf32>
        %add3A_422 = arith.addf %add3A_413, %mul3A_421 : vector<16xf32>
        %swap3A_423 = arith.constant 8 : i32
        %swap3A_424 = arith.index_cast %swap3A_423 : i32 to index
        %swap3A_425 = arith.constant 0 : index
        %swap3A_426 = tpu.vector_load %arg13[%swap3A_424, %swap3A_425] {strides = array<i32>} : memref<16x128xf32, #tpu.memory_space<vmem>>, vector<16xf32>,
        tpu.vector_store %arg13[%swap3A_424, %swap3A_425], %add3A_422 {strides = array<i32>} : memref<16x128xf32, #tpu.memory_space<vmem>>, vector<16xf32>,
        %mul3A_427 = arith.constant 16 : i32
        %mul3A_428 = arith.muli %scan3A_40, %mul3A_427 : i32
        %add3A_429 = arith.constant 9 : i32
        %add3A_430 = arith.addi %mul3A_428, %add3A_429 : i32
        %get3A_431 = arith.index_cast %add3A_430 : i32 to index
        %get3A_432 = arith.constant 0 : index
        %get3A_433 = tpu.vector_load %arg10[%get3A_431, %get3A_432] {strides = array<i32>} : memref<256x64xf32, #tpu.memory_space<vmem>>, vector<16xf32>,
        %get3A_434 = arith.index_cast %add3A_430 : i32 to index
        %get3A_435 = arith.constant 0 : index
        %get3A_436 = tpu.vector_load %arg11[%get3A_434, %get3A_435] {strides = array<i32>} : memref<256x64xf32, #tpu.memory_space<vmem>>, vector<16xf32>,
        %mul3A_437 = arith.mulf %get3A_433, %get3A_436 : vector<16xf32>
        %mul3A_438 = arith.mulf %mul3A_437, %get3A_3 : vector<16xf32>
        %get3A_439 = arith.index_cast %add3A_430 : i32 to index
        %get3A_440 = arith.constant 16 : index
        %get3A_441 = tpu.vector_load %arg10[%get3A_439, %get3A_440] {strides = array<i32>} : memref<256x64xf32, #tpu.memory_space<vmem>>, vector<16xf32>,
        %get3A_442 = arith.index_cast %add3A_430 : i32 to index
        %get3A_443 = arith.constant 16 : index
        %get3A_444 = tpu.vector_load %arg11[%get3A_442, %get3A_443] {strides = array<i32>} : memref<256x64xf32, #tpu.memory_space<vmem>>, vector<16xf32>,
        %mul3A_445 = arith.mulf %get3A_441, %get3A_444 : vector<16xf32>
        %mul3A_446 = arith.mulf %mul3A_445, %get3A_5 : vector<16xf32>
        %add3A_447 = arith.addf %mul3A_438, %mul3A_446 : vector<16xf32>
        %get3A_448 = arith.index_cast %add3A_430 : i32 to index
        %get3A_449 = arith.constant 32 : index
        %get3A_450 = tpu.vector_load %arg10[%get3A_448, %get3A_449] {strides = array<i32>} : memref<256x64xf32, #tpu.memory_space<vmem>>, vector<16xf32>,
        %get3A_451 = arith.index_cast %add3A_430 : i32 to index
        %get3A_452 = arith.constant 32 : index
        %get3A_453 = tpu.vector_load %arg11[%get3A_451, %get3A_452] {strides = array<i32>} : memref<256x64xf32, #tpu.memory_space<vmem>>, vector<16xf32>,
        %mul3A_454 = arith.mulf %get3A_450, %get3A_453 : vector<16xf32>
        %mul3A_455 = arith.mulf %mul3A_454, %get3A_7 : vector<16xf32>
        %add3A_456 = arith.addf %add3A_447, %mul3A_455 : vector<16xf32>
        %get3A_457 = arith.index_cast %add3A_430 : i32 to index
        %get3A_458 = arith.constant 48 : index
        %get3A_459 = tpu.vector_load %arg10[%get3A_457, %get3A_458] {strides = array<i32>} : memref<256x64xf32, #tpu.memory_space<vmem>>, vector<16xf32>,
        %get3A_460 = arith.index_cast %add3A_430 : i32 to index
        %get3A_461 = arith.constant 48 : index
        %get3A_462 = tpu.vector_load %arg11[%get3A_460, %get3A_461] {strides = array<i32>} : memref<256x64xf32, #tpu.memory_space<vmem>>, vector<16xf32>,
        %mul3A_463 = arith.mulf %get3A_459, %get3A_462 : vector<16xf32>
        %mul3A_464 = arith.mulf %mul3A_463, %get3A_9 : vector<16xf32>
        %add3A_465 = arith.addf %add3A_456, %mul3A_464 : vector<16xf32>
        %swap3A_466 = arith.constant 9 : i32
        %swap3A_467 = arith.index_cast %swap3A_466 : i32 to index
        %swap3A_468 = arith.constant 0 : index
        %swap3A_469 = tpu.vector_load %arg13[%swap3A_467, %swap3A_468] {strides = array<i32>} : memref<16x128xf32, #tpu.memory_space<vmem>>, vector<16xf32>,
        tpu.vector_store %arg13[%swap3A_467, %swap3A_468], %add3A_465 {strides = array<i32>} : memref<16x128xf32, #tpu.memory_space<vmem>>, vector<16xf32>,
        %mul3A_470 = arith.constant 16 : i32
        %mul3A_471 = arith.muli %scan3A_40, %mul3A_470 : i32
        %add3A_472 = arith.constant 10 : i32
        %add3A_473 = arith.addi %mul3A_471, %add3A_472 : i32
        %get3A_474 = arith.index_cast %add3A_473 : i32 to index
        %get3A_475 = arith.constant 0 : index
        %get3A_476 = tpu.vector_load %arg10[%get3A_474, %get3A_475] {strides = array<i32>} : memref<256x64xf32, #tpu.memory_space<vmem>>, vector<16xf32>,
        %get3A_477 = arith.index_cast %add3A_473 : i32 to index
        %get3A_478 = arith.constant 0 : index
        %get3A_479 = tpu.vector_load %arg11[%get3A_477, %get3A_478] {strides = array<i32>} : memref<256x64xf32, #tpu.memory_space<vmem>>, vector<16xf32>,
        %mul3A_480 = arith.mulf %get3A_476, %get3A_479 : vector<16xf32>
        %mul3A_481 = arith.mulf %mul3A_480, %get3A_3 : vector<16xf32>
        %get3A_482 = arith.index_cast %add3A_473 : i32 to index
        %get3A_483 = arith.constant 16 : index
        %get3A_484 = tpu.vector_load %arg10[%get3A_482, %get3A_483] {strides = array<i32>} : memref<256x64xf32, #tpu.memory_space<vmem>>, vector<16xf32>,
        %get3A_485 = arith.index_cast %add3A_473 : i32 to index
        %get3A_486 = arith.constant 16 : index
        %get3A_487 = tpu.vector_load %arg11[%get3A_485, %get3A_486] {strides = array<i32>} : memref<256x64xf32, #tpu.memory_space<vmem>>, vector<16xf32>,
        %mul3A_488 = arith.mulf %get3A_484, %get3A_487 : vector<16xf32>
        %mul3A_489 = arith.mulf %mul3A_488, %get3A_5 : vector<16xf32>
        %add3A_490 = arith.addf %mul3A_481, %mul3A_489 : vector<16xf32>
        %get3A_491 = arith.index_cast %add3A_473 : i32 to index
        %get3A_492 = arith.constant 32 : index
        %get3A_493 = tpu.vector_load %arg10[%get3A_491, %get3A_492] {strides = array<i32>} : memref<256x64xf32, #tpu.memory_space<vmem>>, vector<16xf32>,
        %get3A_494 = arith.index_cast %add3A_473 : i32 to index
        %get3A_495 = arith.constant 32 : index
        %get3A_496 = tpu.vector_load %arg11[%get3A_494, %get3A_495] {strides = array<i32>} : memref<256x64xf32, #tpu.memory_space<vmem>>, vector<16xf32>,
        %mul3A_497 = arith.mulf %get3A_493, %get3A_496 : vector<16xf32>
        %mul3A_498 = arith.mulf %mul3A_497, %get3A_7 : vector<16xf32>
        %add3A_499 = arith.addf %add3A_490, %mul3A_498 : vector<16xf32>
        %get3A_500 = arith.index_cast %add3A_473 : i32 to index
        %get3A_501 = arith.constant 48 : index
        %get3A_502 = tpu.vector_load %arg10[%get3A_500, %get3A_501] {strides = array<i32>} : memref<256x64xf32, #tpu.memory_space<vmem>>, vector<16xf32>,
        %get3A_503 = arith.index_cast %add3A_473 : i32 to index
        %get3A_504 = arith.constant 48 : index
        %get3A_505 = tpu.vector_load %arg11[%get3A_503, %get3A_504] {strides = array<i32>} : memref<256x64xf32, #tpu.memory_space<vmem>>, vector<16xf32>,
        %mul3A_506 = arith.mulf %get3A_502, %get3A_505 : vector<16xf32>
        %mul3A_507 = arith.mulf %mul3A_506, %get3A_9 : vector<16xf32>
        %add3A_508 = arith.addf %add3A_499, %mul3A_507 : vector<16xf32>
        %swap3A_509 = arith.constant 10 : i32
        %swap3A_510 = arith.index_cast %swap3A_509 : i32 to index
        %swap3A_511 = arith.constant 0 : index
        %swap3A_512 = tpu.vector_load %arg13[%swap3A_510, %swap3A_511] {strides = array<i32>} : memref<16x128xf32, #tpu.memory_space<vmem>>, vector<16xf32>,
        tpu.vector_store %arg13[%swap3A_510, %swap3A_511], %add3A_508 {strides = array<i32>} : memref<16x128xf32, #tpu.memory_space<vmem>>, vector<16xf32>,
        %mul3A_513 = arith.constant 16 : i32
        %mul3A_514 = arith.muli %scan3A_40, %mul3A_513 : i32
        %add3A_515 = arith.constant 11 : i32
        %add3A_516 = arith.addi %mul3A_514, %add3A_515 : i32
        %get3A_517 = arith.index_cast %add3A_516 : i32 to index
        %get3A_518 = arith.constant 0 : index
        %get3A_519 = tpu.vector_load %arg10[%get3A_517, %get3A_518] {strides = array<i32>} : memref<256x64xf32, #tpu.memory_space<vmem>>, vector<16xf32>,
        %get3A_520 = arith.index_cast %add3A_516 : i32 to index
        %get3A_521 = arith.constant 0 : index
        %get3A_522 = tpu.vector_load %arg11[%get3A_520, %get3A_521] {strides = array<i32>} : memref<256x64xf32, #tpu.memory_space<vmem>>, vector<16xf32>,
        %mul3A_523 = arith.mulf %get3A_519, %get3A_522 : vector<16xf32>
        %mul3A_524 = arith.mulf %mul3A_523, %get3A_3 : vector<16xf32>
        %get3A_525 = arith.index_cast %add3A_516 : i32 to index
        %get3A_526 = arith.constant 16 : index
        %get3A_527 = tpu.vector_load %arg10[%get3A_525, %get3A_526] {strides = array<i32>} : memref<256x64xf32, #tpu.memory_space<vmem>>, vector<16xf32>,
        %get3A_528 = arith.index_cast %add3A_516 : i32 to index
        %get3A_529 = arith.constant 16 : index
        %get3A_530 = tpu.vector_load %arg11[%get3A_528, %get3A_529] {strides = array<i32>} : memref<256x64xf32, #tpu.memory_space<vmem>>, vector<16xf32>,
        %mul3A_531 = arith.mulf %get3A_527, %get3A_530 : vector<16xf32>
        %mul3A_532 = arith.mulf %mul3A_531, %get3A_5 : vector<16xf32>
        %add3A_533 = arith.addf %mul3A_524, %mul3A_532 : vector<16xf32>
        %get3A_534 = arith.index_cast %add3A_516 : i32 to index
        %get3A_535 = arith.constant 32 : index
        %get3A_536 = tpu.vector_load %arg10[%get3A_534, %get3A_535] {strides = array<i32>} : memref<256x64xf32, #tpu.memory_space<vmem>>, vector<16xf32>,
        %get3A_537 = arith.index_cast %add3A_516 : i32 to index
        %get3A_538 = arith.constant 32 : index
        %get3A_539 = tpu.vector_load %arg11[%get3A_537, %get3A_538] {strides = array<i32>} : memref<256x64xf32, #tpu.memory_space<vmem>>, vector<16xf32>,
        %mul3A_540 = arith.mulf %get3A_536, %get3A_539 : vector<16xf32>
        %mul3A_541 = arith.mulf %mul3A_540, %get3A_7 : vector<16xf32>
        %add3A_542 = arith.addf %add3A_533, %mul3A_541 : vector<16xf32>
        %get3A_543 = arith.index_cast %add3A_516 : i32 to index
        %get3A_544 = arith.constant 48 : index
        %get3A_545 = tpu.vector_load %arg10[%get3A_543, %get3A_544] {strides = array<i32>} : memref<256x64xf32, #tpu.memory_space<vmem>>, vector<16xf32>,
        %get3A_546 = arith.index_cast %add3A_516 : i32 to index
        %get3A_547 = arith.constant 48 : index
        %get3A_548 = tpu.vector_load %arg11[%get3A_546, %get3A_547] {strides = array<i32>} : memref<256x64xf32, #tpu.memory_space<vmem>>, vector<16xf32>,
        %mul3A_549 = arith.mulf %get3A_545, %get3A_548 : vector<16xf32>
        %mul3A_550 = arith.mulf %mul3A_549, %get3A_9 : vector<16xf32>
        %add3A_551 = arith.addf %add3A_542, %mul3A_550 : vector<16xf32>
        %swap3A_552 = arith.constant 11 : i32
        %swap3A_553 = arith.index_cast %swap3A_552 : i32 to index
        %swap3A_554 = arith.constant 0 : index
        %swap3A_555 = tpu.vector_load %arg13[%swap3A_553, %swap3A_554] {strides = array<i32>} : memref<16x128xf32, #tpu.memory_space<vmem>>, vector<16xf32>,
        tpu.vector_store %arg13[%swap3A_553, %swap3A_554], %add3A_551 {strides = array<i32>} : memref<16x128xf32, #tpu.memory_space<vmem>>, vector<16xf32>,
        %mul3A_556 = arith.constant 16 : i32
        %mul3A_557 = arith.muli %scan3A_40, %mul3A_556 : i32
        %add3A_558 = arith.constant 12 : i32
        %add3A_559 = arith.addi %mul3A_557, %add3A_558 : i32
        %get3A_560 = arith.index_cast %add3A_559 : i32 to index
        %get3A_561 = arith.constant 0 : index
        %get3A_562 = tpu.vector_load %arg10[%get3A_560, %get3A_561] {strides = array<i32>} : memref<256x64xf32, #tpu.memory_space<vmem>>, vector<16xf32>,
        %get3A_563 = arith.index_cast %add3A_559 : i32 to index
        %get3A_564 = arith.constant 0 : index
        %get3A_565 = tpu.vector_load %arg11[%get3A_563, %get3A_564] {strides = array<i32>} : memref<256x64xf32, #tpu.memory_space<vmem>>, vector<16xf32>,
        %mul3A_566 = arith.mulf %get3A_562, %get3A_565 : vector<16xf32>
        %mul3A_567 = arith.mulf %mul3A_566, %get3A_3 : vector<16xf32>
        %get3A_568 = arith.index_cast %add3A_559 : i32 to index
        %get3A_569 = arith.constant 16 : index
        %get3A_570 = tpu.vector_load %arg10[%get3A_568, %get3A_569] {strides = array<i32>} : memref<256x64xf32, #tpu.memory_space<vmem>>, vector<16xf32>,
        %get3A_571 = arith.index_cast %add3A_559 : i32 to index
        %get3A_572 = arith.constant 16 : index
        %get3A_573 = tpu.vector_load %arg11[%get3A_571, %get3A_572] {strides = array<i32>} : memref<256x64xf32, #tpu.memory_space<vmem>>, vector<16xf32>,
        %mul3A_574 = arith.mulf %get3A_570, %get3A_573 : vector<16xf32>
        %mul3A_575 = arith.mulf %mul3A_574, %get3A_5 : vector<16xf32>
        %add3A_576 = arith.addf %mul3A_567, %mul3A_575 : vector<16xf32>
        %get3A_577 = arith.index_cast %add3A_559 : i32 to index
        %get3A_578 = arith.constant 32 : index
        %get3A_579 = tpu.vector_load %arg10[%get3A_577, %get3A_578] {strides = array<i32>} : memref<256x64xf32, #tpu.memory_space<vmem>>, vector<16xf32>,
        %get3A_580 = arith.index_cast %add3A_559 : i32 to index
        %get3A_581 = arith.constant 32 : index
        %get3A_582 = tpu.vector_load %arg11[%get3A_580, %get3A_581] {strides = array<i32>} : memref<256x64xf32, #tpu.memory_space<vmem>>, vector<16xf32>,
        %mul3A_583 = arith.mulf %get3A_579, %get3A_582 : vector<16xf32>
        %mul3A_584 = arith.mulf %mul3A_583, %get3A_7 : vector<16xf32>
        %add3A_585 = arith.addf %add3A_576, %mul3A_584 : vector<16xf32>
        %get3A_586 = arith.index_cast %add3A_559 : i32 to index
        %get3A_587 = arith.constant 48 : index
        %get3A_588 = tpu.vector_load %arg10[%get3A_586, %get3A_587] {strides = array<i32>} : memref<256x64xf32, #tpu.memory_space<vmem>>, vector<16xf32>,
        %get3A_589 = arith.index_cast %add3A_559 : i32 to index
        %get3A_590 = arith.constant 48 : index
        %get3A_591 = tpu.vector_load %arg11[%get3A_589, %get3A_590] {strides = array<i32>} : memref<256x64xf32, #tpu.memory_space<vmem>>, vector<16xf32>,
        %mul3A_592 = arith.mulf %get3A_588, %get3A_591 : vector<16xf32>
        %mul3A_593 = arith.mulf %mul3A_592, %get3A_9 : vector<16xf32>
        %add3A_594 = arith.addf %add3A_585, %mul3A_593 : vector<16xf32>
        %swap3A_595 = arith.constant 12 : i32
        %swap3A_596 = arith.index_cast %swap3A_595 : i32 to index
        %swap3A_597 = arith.constant 0 : index
        %swap3A_598 = tpu.vector_load %arg13[%swap3A_596, %swap3A_597] {strides = array<i32>} : memref<16x128xf32, #tpu.memory_space<vmem>>, vector<16xf32>,
        tpu.vector_store %arg13[%swap3A_596, %swap3A_597], %add3A_594 {strides = array<i32>} : memref<16x128xf32, #tpu.memory_space<vmem>>, vector<16xf32>,
        %mul3A_599 = arith.constant 16 : i32
        %mul3A_600 = arith.muli %scan3A_40, %mul3A_599 : i32
        %add3A_601 = arith.constant 13 : i32
        %add3A_602 = arith.addi %mul3A_600, %add3A_601 : i32
        %get3A_603 = arith.index_cast %add3A_602 : i32 to index
        %get3A_604 = arith.constant 0 : index
        %get3A_605 = tpu.vector_load %arg10[%get3A_603, %get3A_604] {strides = array<i32>} : memref<256x64xf32, #tpu.memory_space<vmem>>, vector<16xf32>,
        %get3A_606 = arith.index_cast %add3A_602 : i32 to index
        %get3A_607 = arith.constant 0 : index
        %get3A_608 = tpu.vector_load %arg11[%get3A_606, %get3A_607] {strides = array<i32>} : memref<256x64xf32, #tpu.memory_space<vmem>>, vector<16xf32>,
        %mul3A_609 = arith.mulf %get3A_605, %get3A_608 : vector<16xf32>
        %mul3A_610 = arith.mulf %mul3A_609, %get3A_3 : vector<16xf32>
        %get3A_611 = arith.index_cast %add3A_602 : i32 to index
        %get3A_612 = arith.constant 16 : index
        %get3A_613 = tpu.vector_load %arg10[%get3A_611, %get3A_612] {strides = array<i32>} : memref<256x64xf32, #tpu.memory_space<vmem>>, vector<16xf32>,
        %get3A_614 = arith.index_cast %add3A_602 : i32 to index
        %get3A_615 = arith.constant 16 : index
        %get3A_616 = tpu.vector_load %arg11[%get3A_614, %get3A_615] {strides = array<i32>} : memref<256x64xf32, #tpu.memory_space<vmem>>, vector<16xf32>,
        %mul3A_617 = arith.mulf %get3A_613, %get3A_616 : vector<16xf32>
        %mul3A_618 = arith.mulf %mul3A_617, %get3A_5 : vector<16xf32>
        %add3A_619 = arith.addf %mul3A_610, %mul3A_618 : vector<16xf32>
        %get3A_620 = arith.index_cast %add3A_602 : i32 to index
        %get3A_621 = arith.constant 32 : index
        %get3A_622 = tpu.vector_load %arg10[%get3A_620, %get3A_621] {strides = array<i32>} : memref<256x64xf32, #tpu.memory_space<vmem>>, vector<16xf32>,
        %get3A_623 = arith.index_cast %add3A_602 : i32 to index
        %get3A_624 = arith.constant 32 : index
        %get3A_625 = tpu.vector_load %arg11[%get3A_623, %get3A_624] {strides = array<i32>} : memref<256x64xf32, #tpu.memory_space<vmem>>, vector<16xf32>,
        %mul3A_626 = arith.mulf %get3A_622, %get3A_625 : vector<16xf32>
        %mul3A_627 = arith.mulf %mul3A_626, %get3A_7 : vector<16xf32>
        %add3A_628 = arith.addf %add3A_619, %mul3A_627 : vector<16xf32>
        %get3A_629 = arith.index_cast %add3A_602 : i32 to index
        %get3A_630 = arith.constant 48 : index
        %get3A_631 = tpu.vector_load %arg10[%get3A_629, %get3A_630] {strides = array<i32>} : memref<256x64xf32, #tpu.memory_space<vmem>>, vector<16xf32>,
        %get3A_632 = arith.index_cast %add3A_602 : i32 to index
        %get3A_633 = arith.constant 48 : index
        %get3A_634 = tpu.vector_load %arg11[%get3A_632, %get3A_633] {strides = array<i32>} : memref<256x64xf32, #tpu.memory_space<vmem>>, vector<16xf32>,
        %mul3A_635 = arith.mulf %get3A_631, %get3A_634 : vector<16xf32>
        %mul3A_636 = arith.mulf %mul3A_635, %get3A_9 : vector<16xf32>
        %add3A_637 = arith.addf %add3A_628, %mul3A_636 : vector<16xf32>
        %swap3A_638 = arith.constant 13 : i32
        %swap3A_639 = arith.index_cast %swap3A_638 : i32 to index
        %swap3A_640 = arith.constant 0 : index
        %swap3A_641 = tpu.vector_load %arg13[%swap3A_639, %swap3A_640] {strides = array<i32>} : memref<16x128xf32, #tpu.memory_space<vmem>>, vector<16xf32>,
        tpu.vector_store %arg13[%swap3A_639, %swap3A_640], %add3A_637 {strides = array<i32>} : memref<16x128xf32, #tpu.memory_space<vmem>>, vector<16xf32>,
        %mul3A_642 = arith.constant 16 : i32
        %mul3A_643 = arith.muli %scan3A_40, %mul3A_642 : i32
        %add3A_644 = arith.constant 14 : i32
        %add3A_645 = arith.addi %mul3A_643, %add3A_644 : i32
        %get3A_646 = arith.index_cast %add3A_645 : i32 to index
        %get3A_647 = arith.constant 0 : index
        %get3A_648 = tpu.vector_load %arg10[%get3A_646, %get3A_647] {strides = array<i32>} : memref<256x64xf32, #tpu.memory_space<vmem>>, vector<16xf32>,
        %get3A_649 = arith.index_cast %add3A_645 : i32 to index
        %get3A_650 = arith.constant 0 : index
        %get3A_651 = tpu.vector_load %arg11[%get3A_649, %get3A_650] {strides = array<i32>} : memref<256x64xf32, #tpu.memory_space<vmem>>, vector<16xf32>,
        %mul3A_652 = arith.mulf %get3A_648, %get3A_651 : vector<16xf32>
        %mul3A_653 = arith.mulf %mul3A_652, %get3A_3 : vector<16xf32>
        %get3A_654 = arith.index_cast %add3A_645 : i32 to index
        %get3A_655 = arith.constant 16 : index
        %get3A_656 = tpu.vector_load %arg10[%get3A_654, %get3A_655] {strides = array<i32>} : memref<256x64xf32, #tpu.memory_space<vmem>>, vector<16xf32>,
        %get3A_657 = arith.index_cast %add3A_645 : i32 to index
        %get3A_658 = arith.constant 16 : index
        %get3A_659 = tpu.vector_load %arg11[%get3A_657, %get3A_658] {strides = array<i32>} : memref<256x64xf32, #tpu.memory_space<vmem>>, vector<16xf32>,
        %mul3A_660 = arith.mulf %get3A_656, %get3A_659 : vector<16xf32>
        %mul3A_661 = arith.mulf %mul3A_660, %get3A_5 : vector<16xf32>
        %add3A_662 = arith.addf %mul3A_653, %mul3A_661 : vector<16xf32>
        %get3A_663 = arith.index_cast %add3A_645 : i32 to index
        %get3A_664 = arith.constant 32 : index
        %get3A_665 = tpu.vector_load %arg10[%get3A_663, %get3A_664] {strides = array<i32>} : memref<256x64xf32, #tpu.memory_space<vmem>>, vector<16xf32>,
        %get3A_666 = arith.index_cast %add3A_645 : i32 to index
        %get3A_667 = arith.constant 32 : index
        %get3A_668 = tpu.vector_load %arg11[%get3A_666, %get3A_667] {strides = array<i32>} : memref<256x64xf32, #tpu.memory_space<vmem>>, vector<16xf32>,
        %mul3A_669 = arith.mulf %get3A_665, %get3A_668 : vector<16xf32>
        %mul3A_670 = arith.mulf %mul3A_669, %get3A_7 : vector<16xf32>
        %add3A_671 = arith.addf %add3A_662, %mul3A_670 : vector<16xf32>
        %get3A_672 = arith.index_cast %add3A_645 : i32 to index
        %get3A_673 = arith.constant 48 : index
        %get3A_674 = tpu.vector_load %arg10[%get3A_672, %get3A_673] {strides = array<i32>} : memref<256x64xf32, #tpu.memory_space<vmem>>, vector<16xf32>,
        %get3A_675 = arith.index_cast %add3A_645 : i32 to index
        %get3A_676 = arith.constant 48 : index
        %get3A_677 = tpu.vector_load %arg11[%get3A_675, %get3A_676] {strides = array<i32>} : memref<256x64xf32, #tpu.memory_space<vmem>>, vector<16xf32>,
        %mul3A_678 = arith.mulf %get3A_674, %get3A_677 : vector<16xf32>
        %mul3A_679 = arith.mulf %mul3A_678, %get3A_9 : vector<16xf32>
        %add3A_680 = arith.addf %add3A_671, %mul3A_679 : vector<16xf32>
        %swap3A_681 = arith.constant 14 : i32
        %swap3A_682 = arith.index_cast %swap3A_681 : i32 to index
        %swap3A_683 = arith.constant 0 : index
        %swap3A_684 = tpu.vector_load %arg13[%swap3A_682, %swap3A_683] {strides = array<i32>} : memref<16x128xf32, #tpu.memory_space<vmem>>, vector<16xf32>,
        tpu.vector_store %arg13[%swap3A_682, %swap3A_683], %add3A_680 {strides = array<i32>} : memref<16x128xf32, #tpu.memory_space<vmem>>, vector<16xf32>,
        %mul3A_685 = arith.constant 16 : i32
        %mul3A_686 = arith.muli %scan3A_40, %mul3A_685 : i32
        %add3A_687 = arith.constant 15 : i32
        %add3A_688 = arith.addi %mul3A_686, %add3A_687 : i32
        %get3A_689 = arith.index_cast %add3A_688 : i32 to index
        %get3A_690 = arith.constant 0 : index
        %get3A_691 = tpu.vector_load %arg10[%get3A_689, %get3A_690] {strides = array<i32>} : memref<256x64xf32, #tpu.memory_space<vmem>>, vector<16xf32>,
        %get3A_692 = arith.index_cast %add3A_688 : i32 to index
        %get3A_693 = arith.constant 0 : index
        %get3A_694 = tpu.vector_load %arg11[%get3A_692, %get3A_693] {strides = array<i32>} : memref<256x64xf32, #tpu.memory_space<vmem>>, vector<16xf32>,
        %mul3A_695 = arith.mulf %get3A_691, %get3A_694 : vector<16xf32>
        %mul3A_696 = arith.mulf %mul3A_695, %get3A_3 : vector<16xf32>
        %get3A_697 = arith.index_cast %add3A_688 : i32 to index
        %get3A_698 = arith.constant 16 : index
        %get3A_699 = tpu.vector_load %arg10[%get3A_697, %get3A_698] {strides = array<i32>} : memref<256x64xf32, #tpu.memory_space<vmem>>, vector<16xf32>,
        %get3A_700 = arith.index_cast %add3A_688 : i32 to index
        %get3A_701 = arith.constant 16 : index
        %get3A_702 = tpu.vector_load %arg11[%get3A_700, %get3A_701] {strides = array<i32>} : memref<256x64xf32, #tpu.memory_space<vmem>>, vector<16xf32>,
        %mul3A_703 = arith.mulf %get3A_699, %get3A_702 : vector<16xf32>
        %mul3A_704 = arith.mulf %mul3A_703, %get3A_5 : vector<16xf32>
        %add3A_705 = arith.addf %mul3A_696, %mul3A_704 : vector<16xf32>
        %get3A_706 = arith.index_cast %add3A_688 : i32 to index
        %get3A_707 = arith.constant 32 : index
        %get3A_708 = tpu.vector_load %arg10[%get3A_706, %get3A_707] {strides = array<i32>} : memref<256x64xf32, #tpu.memory_space<vmem>>, vector<16xf32>,
        %get3A_709 = arith.index_cast %add3A_688 : i32 to index
        %get3A_710 = arith.constant 32 : index
        %get3A_711 = tpu.vector_load %arg11[%get3A_709, %get3A_710] {strides = array<i32>} : memref<256x64xf32, #tpu.memory_space<vmem>>, vector<16xf32>,
        %mul3A_712 = arith.mulf %get3A_708, %get3A_711 : vector<16xf32>
        %mul3A_713 = arith.mulf %mul3A_712, %get3A_7 : vector<16xf32>
        %add3A_714 = arith.addf %add3A_705, %mul3A_713 : vector<16xf32>
        %get3A_715 = arith.index_cast %add3A_688 : i32 to index
        %get3A_716 = arith.constant 48 : index
        %get3A_717 = tpu.vector_load %arg10[%get3A_715, %get3A_716] {strides = array<i32>} : memref<256x64xf32, #tpu.memory_space<vmem>>, vector<16xf32>,
        %get3A_718 = arith.index_cast %add3A_688 : i32 to index
        %get3A_719 = arith.constant 48 : index
        %get3A_720 = tpu.vector_load %arg11[%get3A_718, %get3A_719] {strides = array<i32>} : memref<256x64xf32, #tpu.memory_space<vmem>>, vector<16xf32>,
        %mul3A_721 = arith.mulf %get3A_717, %get3A_720 : vector<16xf32>
        %mul3A_722 = arith.mulf %mul3A_721, %get3A_9 : vector<16xf32>
        %add3A_723 = arith.addf %add3A_714, %mul3A_722 : vector<16xf32>
        %swap3A_724 = arith.constant 15 : i32
        %swap3A_725 = arith.index_cast %swap3A_724 : i32 to index
        %swap3A_726 = arith.constant 0 : index
        %swap3A_727 = tpu.vector_load %arg13[%swap3A_725, %swap3A_726] {strides = array<i32>} : memref<16x128xf32, #tpu.memory_space<vmem>>, vector<16xf32>,
        tpu.vector_store %arg13[%swap3A_725, %swap3A_726], %add3A_723 {strides = array<i32>} : memref<16x128xf32, #tpu.memory_space<vmem>>, vector<16xf32>,
        %broadcast_in_dim3A = arith.constant 0 : i32
        %broadcast_in_dim3A_728 = vector.broadcast %broadcast_in_dim3A : i32 to vector<16xi32>
        %gather3A = tpu.vector_load_idx %arg13[%iota3A, %broadcast_in_dim3A_728] : memref<16x128xf32, #tpu.memory_space<vmem>>[vector<16xi32>, vector<16xi32>], vector<16xf32>,
        %add3A_729 = arith.addf %get3A_11, %gather3A : vector<16xf32>
        %broadcast_in_dim3A_730 = arith.constant 1 : i32
        %broadcast_in_dim3A_731 = vector.broadcast %broadcast_in_dim3A_730 : i32 to vector<16xi32>
        %gather3A_732 = tpu.vector_load_idx %arg13[%iota3A, %broadcast_in_dim3A_731] : memref<16x128xf32, #tpu.memory_space<vmem>>[vector<16xi32>, vector<16xi32>], vector<16xf32>,
        %add3A_733 = arith.addf %add3A_729, %gather3A_732 : vector<16xf32>
        %broadcast_in_dim3A_734 = arith.constant 2 : i32
        %broadcast_in_dim3A_735 = vector.broadcast %broadcast_in_dim3A_734 : i32 to vector<16xi32>
        %gather3A_736 = tpu.vector_load_idx %arg13[%iota3A, %broadcast_in_dim3A_735] : memref<16x128xf32, #tpu.memory_space<vmem>>[vector<16xi32>, vector<16xi32>], vector<16xf32>,
        %add3A_737 = arith.addf %add3A_733, %gather3A_736 : vector<16xf32>
        %broadcast_in_dim3A_738 = arith.constant 3 : i32
        %broadcast_in_dim3A_739 = vector.broadcast %broadcast_in_dim3A_738 : i32 to vector<16xi32>
        %gather3A_740 = tpu.vector_load_idx %arg13[%iota3A, %broadcast_in_dim3A_739] : memref<16x128xf32, #tpu.memory_space<vmem>>[vector<16xi32>, vector<16xi32>], vector<16xf32>,
        %add3A_741 = arith.addf %add3A_737, %gather3A_740 : vector<16xf32>
        %broadcast_in_dim3A_742 = arith.constant 4 : i32
        %broadcast_in_dim3A_743 = vector.broadcast %broadcast_in_dim3A_742 : i32 to vector<16xi32>
        %gather3A_744 = tpu.vector_load_idx %arg13[%iota3A, %broadcast_in_dim3A_743] : memref<16x128xf32, #tpu.memory_space<vmem>>[vector<16xi32>, vector<16xi32>], vector<16xf32>,
        %add3A_745 = arith.addf %add3A_741, %gather3A_744 : vector<16xf32>
        %broadcast_in_dim3A_746 = arith.constant 5 : i32
        %broadcast_in_dim3A_747 = vector.broadcast %broadcast_in_dim3A_746 : i32 to vector<16xi32>
        %gather3A_748 = tpu.vector_load_idx %arg13[%iota3A, %broadcast_in_dim3A_747] : memref<16x128xf32, #tpu.memory_space<vmem>>[vector<16xi32>, vector<16xi32>], vector<16xf32>,
        %add3A_749 = arith.addf %add3A_745, %gather3A_748 : vector<16xf32>
        %broadcast_in_dim3A_750 = arith.constant 6 : i32
        %broadcast_in_dim3A_751 = vector.broadcast %broadcast_in_dim3A_750 : i32 to vector<16xi32>
        %gather3A_752 = tpu.vector_load_idx %arg13[%iota3A, %broadcast_in_dim3A_751] : memref<16x128xf32, #tpu.memory_space<vmem>>[vector<16xi32>, vector<16xi32>], vector<16xf32>,
        %add3A_753 = arith.addf %add3A_749, %gather3A_752 : vector<16xf32>
        %broadcast_in_dim3A_754 = arith.constant 7 : i32
        %broadcast_in_dim3A_755 = vector.broadcast %broadcast_in_dim3A_754 : i32 to vector<16xi32>
        %gather3A_756 = tpu.vector_load_idx %arg13[%iota3A, %broadcast_in_dim3A_755] : memref<16x128xf32, #tpu.memory_space<vmem>>[vector<16xi32>, vector<16xi32>], vector<16xf32>,
        %add3A_757 = arith.addf %add3A_753, %gather3A_756 : vector<16xf32>
        %broadcast_in_dim3A_758 = arith.constant 8 : i32
        %broadcast_in_dim3A_759 = vector.broadcast %broadcast_in_dim3A_758 : i32 to vector<16xi32>
        %gather3A_760 = tpu.vector_load_idx %arg13[%iota3A, %broadcast_in_dim3A_759] : memref<16x128xf32, #tpu.memory_space<vmem>>[vector<16xi32>, vector<16xi32>], vector<16xf32>,
        %add3A_761 = arith.addf %add3A_757, %gather3A_760 : vector<16xf32>
        %broadcast_in_dim3A_762 = arith.constant 9 : i32
        %broadcast_in_dim3A_763 = vector.broadcast %broadcast_in_dim3A_762 : i32 to vector<16xi32>
        %gather3A_764 = tpu.vector_load_idx %arg13[%iota3A, %broadcast_in_dim3A_763] : memref<16x128xf32, #tpu.memory_space<vmem>>[vector<16xi32>, vector<16xi32>], vector<16xf32>,
        %add3A_765 = arith.addf %add3A_761, %gather3A_764 : vector<16xf32>
        %broadcast_in_dim3A_766 = arith.constant 10 : i32
        %broadcast_in_dim3A_767 = vector.broadcast %broadcast_in_dim3A_766 : i32 to vector<16xi32>
        %gather3A_768 = tpu.vector_load_idx %arg13[%iota3A, %broadcast_in_dim3A_767] : memref<16x128xf32, #tpu.memory_space<vmem>>[vector<16xi32>, vector<16xi32>], vector<16xf32>,
        %add3A_769 = arith.addf %add3A_765, %gather3A_768 : vector<16xf32>
        %broadcast_in_dim3A_770 = arith.constant 11 : i32
        %broadcast_in_dim3A_771 = vector.broadcast %broadcast_in_dim3A_770 : i32 to vector<16xi32>
        %gather3A_772 = tpu.vector_load_idx %arg13[%iota3A, %broadcast_in_dim3A_771] : memref<16x128xf32, #tpu.memory_space<vmem>>[vector<16xi32>, vector<16xi32>], vector<16xf32>,
        %add3A_773 = arith.addf %add3A_769, %gather3A_772 : vector<16xf32>
        %broadcast_in_dim3A_774 = arith.constant 12 : i32
        %broadcast_in_dim3A_775 = vector.broadcast %broadcast_in_dim3A_774 : i32 to vector<16xi32>
        %gather3A_776 = tpu.vector_load_idx %arg13[%iota3A, %broadcast_in_dim3A_775] : memref<16x128xf32, #tpu.memory_space<vmem>>[vector<16xi32>, vector<16xi32>], vector<16xf32>,
        %add3A_777 = arith.addf %add3A_773, %gather3A_776 : vector<16xf32>
        %broadcast_in_dim3A_778 = arith.constant 13 : i32
        %broadcast_in_dim3A_779 = vector.broadcast %broadcast_in_dim3A_778 : i32 to vector<16xi32>
        %gather3A_780 = tpu.vector_load_idx %arg13[%iota3A, %broadcast_in_dim3A_779] : memref<16x128xf32, #tpu.memory_space<vmem>>[vector<16xi32>, vector<16xi32>], vector<16xf32>,
        %add3A_781 = arith.addf %add3A_777, %gather3A_780 : vector<16xf32>
        %broadcast_in_dim3A_782 = arith.constant 14 : i32
        %broadcast_in_dim3A_783 = vector.broadcast %broadcast_in_dim3A_782 : i32 to vector<16xi32>
        %gather3A_784 = tpu.vector_load_idx %arg13[%iota3A, %broadcast_in_dim3A_783] : memref<16x128xf32, #tpu.memory_space<vmem>>[vector<16xi32>, vector<16xi32>], vector<16xf32>,
        %add3A_785 = arith.addf %add3A_781, %gather3A_784 : vector<16xf32>
        %broadcast_in_dim3A_786 = arith.constant 15 : i32
        %broadcast_in_dim3A_787 = vector.broadcast %broadcast_in_dim3A_786 : i32 to vector<16xi32>
        %gather3A_788 = tpu.vector_load_idx %arg13[%iota3A, %broadcast_in_dim3A_787] : memref<16x128xf32, #tpu.memory_space<vmem>>[vector<16xi32>, vector<16xi32>], vector<16xf32>,
        %add3A_789 = arith.addf %add3A_785, %gather3A_788 : vector<16xf32>
        %mul3A_790 = arith.constant 16 : i32
        %mul3A_791 = arith.muli %scan3A_40, %mul3A_790 : i32
        %add3A_792 = arith.addi %mul3A_18, %mul3A_791 : i32
        %swap3A_793 = arith.index_cast %add3A_792 : i32 to index
        %swap3A_794 = tpu.vector_load %arg14[%swap3A_793] {strides = array<i32>} : memref<512xf32, #tpu.memory_space<vmem>>, vector<16xf32>,
        tpu.vector_store %arg14[%swap3A_793], %add3A_789 {strides = array<i32>} : memref<512xf32, #tpu.memory_space<vmem>>, vector<16xf32>,
      }
      %scan3A_39 = arith.constant 16 : i32
    }
    %scan3A_15 = arith.constant 2 : i32
    "tpu.region"() ({
      %run_scoped3A = tpu.sem_alloc : memref<!tpu.dma_semaphore, #tpu.memory_space<semaphore_mem>>
      %dma_start3A = tpu.memref_slice %arg7[%mul3A_2] : memref<16384xf32, #tpu.memory_space<hbm>> -> memref<512xf32, #tpu.memory_space<hbm>>
      %dma_start3A_16 = tpu.memref_slice %arg7[%mul3A_2] : memref<16384xf32, #tpu.memory_space<hbm>> -> memref<512xf32, #tpu.memory_space<hbm>>
      tpu.enqueue_dma source(%arg14 : memref<512xf32, #tpu.memory_space<vmem>>) target(%dma_start3A_16 : memref<512xf32, #tpu.memory_space<hbm>>) target_semaphore(%run_scoped3A : memref<!tpu.dma_semaphore, #tpu.memory_space<semaphore_mem>>)
      %dma_wait3A = tpu.memref_slice %arg7[%mul3A_2] : memref<16384xf32, #tpu.memory_space<hbm>> -> memref<512xf32, #tpu.memory_space<hbm>>
      %dma_wait3A_17 = tpu.memref_slice %arg7[%mul3A_2] : memref<16384xf32, #tpu.memory_space<hbm>> -> memref<512xf32, #tpu.memory_space<hbm>>
      tpu.wait_dma2 semaphore(%run_scoped3A : memref<!tpu.dma_semaphore, #tpu.memory_space<semaphore_mem>>) src(%arg14 : memref<512xf32, #tpu.memory_space<vmem>>) dst(%dma_wait3A_17 : memref<512xf32, #tpu.memory_space<hbm>>)
      tpu.yield
    }) : () -> ()
    return
  }
}

</mosaic_0001>

<sc_bundles>
// kernel: _gmf.3.cloned.1.call-start
scs
__scs_entry_jumppad:
0x0: {  	(pc) =	sbr.rel $0x88, $3  }
0x1: {  	(tag) =	ssettag $0x0;
	lr =	simm.s32 $0x1  }
0x2: {  	[smem:$0x3F9C] =	sst lr;
	_ =	strace $0xD0000000  }
0x3: {  	_ = 	snop  }
0x4: {  	_ = 	snop  }
0x5: {  	_ = 	snop  }
0x6: {  	_ = 	snop  }
0x7: {  	_ = 	snop  }
__scs_overlays_trampoline_lowered:
0x8: {  	[smem:$0x3FAB] =	sst s0  }
0x9: {  	[smem:$0x3FAC] =	sst s1  }
0xa: {  	[smem:$0x3FAD] =	sst s2  }
0xb: {  	[smem:$0x3FAE] =	sst s3  }
0xc: {  	[smem:$0x3FAF] =	sst s4  }
0xd: {  	[smem:$0x3FB0] =	sst s5  }
0xe: {  	[smem:$0x3FB1] =	sst s6  }
0xf: {  	[smem:$0x3FB2] =	sst s7  }
0x10: {  	[smem:$0x3FB3] =	sst s8  }
0x11: {  	[smem:$0x3FB4] =	sst s9;
	s0 =	simm.s32 @!p0 $0x0  }
0x12: {  	s1 =	sld [smem:$0x3F9A];
	s0 =	simm.s32 @p0 $0x1  }
0x13: {  	[smem:$0x3FB5] =	sst s0;
	s0 =	simm.s32 @!p1 $0x0  }
0x14: {  	s2 =	sld [smem:$0x3F99];
	s0 =	simm.s32 @p1 $0x1  }
0x15: {  	[smem:$0x3FB6] =	sst s0;
	s0 =	simm.s32 @!p2 $0x0  }
0x16: {  	s3 =	sld [smem:$0x3FDB];
	s0 =	simm.s32 @p2 $0x1  }
0x17: {  	s4 =	simm.s32 $0x1BF5;
	[smem:$0x3FB8] =	sst s0  }
0x18: {  	s0 =	sld [smem:$0x3F9B];
	_ =	swait.ge [sflag:s4], $0x0  }
0x19: {  	s7 =	sld [smem:$0x3F9C]  }
0x1a: {  	s8 =	sadd.s32 $0xFFFFE003, lr  }
0x1b: {  	s9 =	sadd.s32 $0xFFFFFEF7, lr;
	s5 =	simm.s32 $0xFFFFFFFF;
	p2 =	slt.u32 s8, $0xFFFFF086  }
0x1c: {  	p1 =	slt.u32 s9, $0xF7A;
	s5 =	simm.s32 @!p2 $0x0  }
0x1d: {  	s5 =	simm.s32 @p1 $0x1;
	p0 =	seq.s32 s7, s2  }
0x1e: {  	s7 =	smul.u32 @!p0 $0xF7A, s2;
	p2 =	seq.s32 @!p0 s5, $0x0  }
0x1f: {  	s9 =	smul.u32 $0xF7A, s1;
	s8 =	simm.s32 @!p0 $0x1BF5;
	p2 =	por !p2, p0  }
0x20: {  	[sflag:s8] =	ssyncset.s32 @!p0 $0xFFFFF086;
	s6 =	sadd.s32 @!p0 s3, s7;
	s7 =	simm.s32 @!p0 $0x108  }
0x21: {  	s3 =	sadd.s32 s3, s9;
	s6 =	sadd.s32 @!p0 $0x88, s6;
	s7 =	simm.s32 @p2 $0x1082  }
0x22: {  	[simem:s7], [sflag:s8] =	dma.local @!p0 [hbm:s6], $0xF7A  }
0x23: {  	s9 =	sor.u32 $0xD0000000, s2;
	s6 =	simm.s32 $0x108;
	_ =	swait.ge @!p0 [sflag:s8], $0x0  }
0x24: {  	s3 =	sadd.s32 $0x88, s3;
	s6 =	simm.s32 @!p1 $0x1082;
	[sflag:s4] =	ssyncset.s32 $0xFFFFF086  }
0x25: {  	[simem:s6], [sflag:s4] =	dma.local [hbm:s3], $0xF7A  }
0x26: {  	[smem:$0x3F9C] =	sst s1;
	(tag) =	ssettag s2;
	_ =	strace s9  }
0x27: {  	s1 =	sld [smem:$0x3FAC]  }
0x28: {  	s2 =	sld [smem:$0x3FAD]  }
0x29: {  	s4 =	sld [smem:$0x3FAF]  }
0x2a: {  	p0 =	seq.s32 s5, $0x0;
	s5 =	sld [smem:$0x3FB0]  }
0x2b: {  	s6 =	sld [smem:$0x3FB1]  }
0x2c: {  	s7 =	sld [smem:$0x3FB2]  }
0x2d: {  	s3 =	simm.s32 $0x108;
	s8 =	sld [smem:$0x3FB3]  }
0x2e: {  	s3 =	simm.s32 @!p0 $0x1082;
	s9 =	sld [smem:$0x3FB4]  }
0x2f: {  	lr =	sadd.s32 s0, s3;
	s0 =	sld [smem:$0x3FAB]  }
0x30: {  	s3 =	sld [smem:$0x3FAE]  }
0x31: {  	[smem:$0x3FB7] =	sst s10  }
0x32: {  	s10 =	sld [smem:$0x3FB5];
	_ =	sdelay $0x3  }
0x33: {  	p0 =	seq.s32 s10, $0x1;
	s10 =	sld [smem:$0x3FB7];
	_ =	sdelay $0x3  }
0x34: {  	[smem:$0x3FB7] =	sst s10  }
0x35: {  	s10 =	sld [smem:$0x3FB6];
	_ =	sdelay $0x3  }
0x36: {  	p1 =	seq.s32 s10, $0x1;
	s10 =	sld [smem:$0x3FB7];
	_ =	sdelay $0x3  }
0x37: {  	[smem:$0x3FB7] =	sst s10  }
0x38: {  	s10 =	sld [smem:$0x3FB8]  }
0x39: {  	_ = 	snop;
	(pc) =	sbr.ind lr, $3  }
0x3a: {  	_ = 	snop  }
0x3b: {  	_ = 	snop  }
0x3c: {  	p2 =	seq.s32 s10, $0x1;
	s10 =	sld [smem:$0x3FB7]  }
0x3d: {  	_ =	shalt  }
0x3e: {  	_ =	shalt  }
0x3f: {  	_ =	shalt  }
0x40: {  	_ =	shalt  }
0x41: {  	_ =	shalt  }
0x42: {  	_ =	shalt  }
0x43: {  	_ =	shalt  }
0x44: {  	_ =	shalt  }
0x45: {  	_ =	shalt  }
0x46: {  	_ =	shalt  }
0x47: {  	_ =	shalt  }
0x48: {  	_ =	shalt  }
0x49: {  	_ =	shalt  }
0x4a: {  	_ =	shalt  }
0x4b: {  	_ =	shalt  }
0x4c: {  	_ =	shalt  }
0x4d: {  	_ =	shalt  }
0x4e: {  	_ =	shalt  }
0x4f: {  	_ =	shalt  }
0x50: {  	_ =	shalt  }
0x51: {  	_ =	shalt  }
0x52: {  	_ =	shalt  }
0x53: {  	_ =	shalt  }
0x54: {  	_ =	shalt  }
0x55: {  	_ =	shalt  }
0x56: {  	_ =	shalt  }
0x57: {  	_ =	shalt  }
0x58: {  	_ =	shalt  }
0x59: {  	_ =	shalt  }
0x5a: {  	_ =	shalt  }
0x5b: {  	_ =	shalt  }
0x5c: {  	_ =	shalt  }
0x5d: {  	_ =	shalt  }
0x5e: {  	_ =	shalt  }
0x5f: {  	_ =	shalt  }
0x60: {  	_ =	shalt  }
0x61: {  	_ =	shalt  }
0x62: {  	_ =	shalt  }
0x63: {  	_ =	shalt  }
0x64: {  	_ =	shalt  }
0x65: {  	_ =	shalt  }
0x66: {  	_ =	shalt  }
0x67: {  	_ =	shalt  }
0x68: {  	_ =	shalt  }
0x69: {  	_ =	shalt  }
0x6a: {  	_ =	shalt  }
0x6b: {  	_ =	shalt  }
0x6c: {  	_ =	shalt  }
0x6d: {  	_ =	shalt  }
0x6e: {  	_ =	shalt  }
0x6f: {  	_ =	shalt  }
0x70: {  	_ =	shalt  }
0x71: {  	_ =	shalt  }
0x72: {  	_ =	shalt  }
0x73: {  	_ =	shalt  }
0x74: {  	_ =	shalt  }
0x75: {  	_ =	shalt  }
0x76: {  	_ =	shalt  }
0x77: {  	_ =	shalt  }
0x78: {  	_ =	shalt  }
0x79: {  	_ =	shalt  }
0x7a: {  	_ =	shalt  }
0x7b: {  	_ =	shalt  }
0x7c: {  	_ =	shalt  }
0x7d: {  	_ =	shalt  }
0x7e: {  	_ =	shalt  }
0x7f: {  	_ =	shalt  }
0x80: {  	_ =	shalt  }
0x81: {  	_ =	shalt  }
0x82: {  	_ =	shalt  }
0x83: {  	_ =	shalt  }
0x84: {  	_ =	shalt  }
0x85: {  	_ =	shalt  }
0x86: {  	_ =	shalt  }
0x87: {  	_ =	shalt  }
.Lfunc_end0:
.L_simem_size_0:
called_computation_lowered:
.L_overlay_start_0:
0x88: {  	s2 =	sld [smem:$0x3FD9]  }
0x89: {  	s3 =	sld [smem:$0x3FFE];
	_ =	sdelay $0x1  }
0x8a: {  	s1 =	srdreg.scid  }
0x8b: {  	s0 =	sand.u32 $0x1, s1  }
0x8c: {  	s17 =	sshll.u32 s0, $0xA;
	s2 =	sadd.s32 s3, s2  }
0x8d: {  	s2 =	sadd.s32 s2, s17  }
0x8e: {  	[smem:$0x3FC3] =	sst s2  }
0x8f: {  	_ = 	snop  }
0x90: {  	s2 =	sld [smem:$0x3FC9]  }
0x91: {  	s18 =	sld [smem:$0x3FC8]  }
0x92: {  	s4 =	sld [smem:$0x3FC5]  }
0x93: {  	s5 =	sld [smem:$0x3FD0];
	(tm) =	ssettm $0x1  }
0x94: {  	s6 =	sld [smem:$0x3FFB];
	_ =	sdelay $0x3  }
0x95: {  	_ =	strace s6  }
0x96: {  	s6 =	sld [smem:$0x3FFC];
	_ =	sdelay $0x3  }
0x97: {  	_ =	strace s6  }
0x98: {  	s6 =	sld [smem:$0x3FFD];
	_ =	sdelay $0x3  }
0x99: {  	_ =	strace s6  }
0x9a: {  	_ =	strace $0x8FFFFFFF  }
0x9b: {  	s19 =	sld [smem:$0x3FDB];
	_ =	sdelay $0x1  }
0x9c: {  	s7 =	simm.s32 $_scs_section_size  }
0x9d: {  	s8 =	simm.s32 $_size__tile_overlayer_lowered;
	s9 =	simm.s32 $_tile_overlayer_lowered  }
0x9e: {  	s22 =	simm.s32 $0x1BFF;
	s21 =	sshll.u32 s9, $0x1;
	s6 =	sadd.s32 s7, s19  }
0x9f: {  	s10 =	simm.s32 $0x0;
	s20 =	sshll.u32 s8, $0x1;
	s8 =	sadd.s32 s21, s6  }
0xa0: {  	[timem:s10], [sflag:s22] =	dma.local [hbm:s8], s20  }
0xa1: {  	_ =	swait.ge [sflag:s22], s20  }
0xa2: {  	s7 =	ssub.s32 $0x0, s20;
	[sflag:s22] =	ssyncset.done $0x0  }
0xa3: {  	[sflag:s22] =	ssyncadd.s32 s7;
	_ =	sdelay $0x1  }
0xa4: {  	s23 =	simm.s32 $0x1B8B  }
0xa5: {  	_ =	swait.ge [sflag:s23], $0x1  }
0xa6: {  	[sflag:s23] =	ssyncset.done $0x0  }
0xa7: {  	s25 =	simm.s32 $0x1B8E;
	s24 =	sld [smem:$0x3FFE];
	[sflag:s23] =	ssyncadd.s32 $0xFFFFFFFF  }
0xa8: {  	s26 =	simm.s32 $execute0_lowered;
	[smem:$0x3FD2] =	sst s25  }
0xa9: {  	s8 =	sshll.u32 s26, $0x1;
	_ =	strace $0x80000046;
	[dreg:$0x1] =	wrdreg $0xFFFFFFFF  }
0xaa: {  	s28 =	simm.s32 $_size_execute0_lowered;
	s6 =	sadd.s32 s6, s8;
	[dreg:$0x0] =	wrdreg $0x0  }
0xab: {  	s8 =	sshll.u32 s28, $0x1;
	[dreg:$0x2] =	wrdreg s6  }
0xac: {  	[dreg:$0x3] =	wrdreg s8  }
0xad: {  	[dreg:$0x4] =	wrdreg $0xC0  }
0xae: {  	_ =	task [dreg:s10], $0x5FFFF  }
0xaf: {  	[dreg:$0x1] =	wrdreg $0xFFFFFFFF  }
0xb0: {  	[dreg:$0x0] =	wrdreg $0x60  }
0xb1: {  	[dreg:$0x2] =	wrdreg s2  }
0xb2: {  	[dreg:$0x3] =	wrdreg s18  }
0xb3: {  	[dreg:$0x4] =	wrdreg s24  }
0xb4: {  	[dreg:$0x5] =	wrdreg s4  }
0xb5: {  	[dreg:$0x6] =	wrdreg s5  }
0xb6: {  	[dreg:$0x7] =	wrdreg $0x9  }
0xb7: {  	_ =	task.clear_ibuf [dreg:s10], $0x8FFFF;
	_ =	strace $0x90000046  }
0xb8: {  	s29 =	simm.s32 $0x9;
	_ =	strace $0x80000048  }
0xb9: {  	_ =	swait.ge [sflag:s29], $0x1  }
0xba: {  	[sflag:s29] =	ssyncadd.s32 $0xFFFFFFFF  }
0xbb: {  	_ =	strace $0x90000048  }
0xbc: {  	_ =	sfence  }
0xbd: {  	s30 =	sld [smem:$0x0];
	_ =	sdelay $0x2  }
0xbe: {  	s31 =	sshll.u32 s1, $0xD;
	s1 =	sshrl.u32 s1, $0x2  }
0xbf: {  	s3 =	sand.u32 $0x4000, s31;
	s1 =	sadd.s32 s1, s30  }
0xc0: {  	s0 =	sor.u32 s3, s0;
	s1 =	sshll.u32 s1, $0x11  }
0xc1: {  	s0 =	sor.u32 s1, s0  }
0xc2: {  	s0 =	sadd.s32 $0x8F2B, s0  }
0xc3: {  	[sflag:s0] =	ssyncadd.remote.s32 $0x1  }
0xc4: {  	_ =	sfence.sel $0xFFFF  }
0xc5: {  	[dreg:$0x0] =	wrdreg $0xFFFFFFFF;
	(pc) =	sbr.abs _section_cstart, $3  }
0xc6: {  	[dreg:$0x1] =	wrdreg $0xFFFFFFFF  }
0xc7: {  	_ =	task.clear_ibuf [dreg:s10], $0x2FFFF;
	_ =	strace $0x9FFFFFFF  }
0xc8: {  	(tm) =	ssettm $0x7FFFFFFF  }
0xc9: {  	_ =	shalt  }
tec
execute0_lowered:
.L_overlay_start_1:
0x0: {  	(tag) =	ssettag $0x1  }
0x1: {  	s0 =	rddreg [dreg:$0x0]  }
0x2: {  	s1 =	rddreg [dreg:$0x1]  }
0x3: {  	s3 =	rddreg [dreg:$0x2]  }
0x4: {  	s6 =	rddreg [dreg:$0x4];
	s5 =	srdreg.scid  }
0x5: {  	s2 =	simm.s32 $0x0;
	v0 =	vlaneseq.u32;
	s8 =	stileid.u32;
	s5 =	sand.u32 $0x1, s5  }
0x6: {  	[smem:$0x7FF] =	sst s2;
	v0 =	vmul.u32 $0x80, v0;
	s8 =	sshll.u32 s8, $0x7;
	s9 =	sshll.u32 s5, $0x6  }
0x7: {  	s4 =	sadd.s32 $0x400, s3;
	_ =	strace $0x80000047;
	s8 =	sor.u32 s9, s8  }
0x8: {  	s7 =	ssub.s32 $0x2, s5;
	s5 =	sadd.s32 $0xF42800, s3;
	v1 =	vor.u32 $0x1, v0;
	v2 =	vor.u32 $0x2, v0;
	v3 =	vor.u32 $0x3, v0;
	s0 =	sadd.s32 s0, s8  }
0x9: {  	s28 =	sshrl.u32 s7, $0x1;
	v4 =	vor.u32 $0x4, v0;
	v5 =	vor.u32 $0x5, v0;
	v6 =	vor.u32 $0x6, v0;
	s29 =	sadd.s32 s1, s8;
	[dreg:$0xf] =	wrdreg s0  }
0xa: {  	v7 =	vor.u32 $0x7, v0;
	v8 =	vor.u32 $0x8, v0;
	v9 =	vor.u32 $0x9, v0;
	s3 =	ssub.s32 s7, s28;
	s30 =	sadd.s32 s6, s8;
	[dreg:$0x10] =	wrdreg s29  }
0xb: {  	v10 =	vor.u32 $0xA, v0;
	v11 =	vor.u32 $0xB, v0;
	v12 =	vor.u32 $0xC, v0;
	[dreg:$0x11] =	wrdreg s30;
	s31 =	smax.u32 s3, $0x1  }
0xc: {  	v13 =	vor.u32 $0xD, v0;
	v14 =	vor.u32 $0xE, v0;
	v15 =	vor.u32 $0xF, v0;
	s1 =	simm.s32 $0x2;
	s3 =	simm.s32 $0x0;
	[dreg:$0x12] =	wrdreg s31  }
.LBB2_1:
0xd: {  	[dreg:$0x13] =	wrdreg s3  }
0xe: {  	s0 =	rddreg [dreg:$0xf]  }
0xf: {  	[tilespmem:s2], [sflag:$0x2] =	stream.linear.gather [hbm4b:s0+s2], $0x200, $0x38;
	[tilespmem:$0x10E80] =	vst v63  }
0x10: {  	_ =	swait.ge [sflag:s1], $0x200  }
0x11: {  	[sflag:s1] =	ssyncset.done $0x0  }
0x12: {  	s29 =	simm.s32 $0x200;
	s28 =	rddreg [dreg:$0x10];
	[sflag:s1] =	ssyncadd.s32 $0xFFFFFE00  }
0x13: {  	[tilespmem:s29], [sflag:$0x2] =	stream.linear.gather [hbm4b:s28+s2], $0x200, $0x38;
	[tilespmem:$0x10E80] =	vst v63  }
0x14: {  	_ =	swait.ge [sflag:s1], $0x200  }
0x15: {  	[sflag:s1] =	ssyncset.done $0x0  }
0x16: {  	[sflag:s1] =	ssyncadd.s32 $0xFFFFFE00  }
0x17: {  	s31 =	simm.s32 $0x10400;
	s30 =	rddreg [dreg:$0x3]  }
0x18: {  	[tilespmem:s31], [sflag:$0x2] =	stream.linear.gather [hbm4b:s30+s2], $0x80, $0x38;
	[tilespmem:$0x10E80] =	vst v63  }
0x19: {  	_ =	swait.ge [sflag:s1], $0x80  }
0x1a: {  	[sflag:s1] =	ssyncset.done $0x0  }
0x1b: {  	[sflag:s1] =	ssyncadd.s32 $0xFFFFFF80  }
0x1c: {  	v16 =	vld [tilespmem:$0x10400]  }
0x1d: {  	v17 =	vld [tilespmem:$0x10410]  }
0x1e: {  	v18 =	vld [tilespmem:$0x10420]  }
0x1f: {  	v19 =	vld [tilespmem:$0x10430]  }
0x20: {  	p1 =	por $0x1, $0x1;
	s0 =	simm.s32 $0x0;
	v20 =	vld [tilespmem:$0x10440]  }
.LBB2_2:
0x21: {  	s15 =	sshll.u32 s0, $0x2  }
0x22: {  	s1 =	sshra.s32 s15, $0x2  }
0x23: {  	[dreg:$0x14] =	wrdreg s0;
	s0 =	sadd.s32 $0x200, s1;
	v21 =	vld [tilespmem:s1+$0x0]  }
0x24: {  	v23 =	vld [tilespmem:s0+$0x0];
	_ =	sdelay $0x3  }
0x25: {  	v22 =	vshll.u32 v21, $0x4  }
0x26: {  	v21 =	vshll.u32 v23, $0x4;
	(v2sf) =	vpush v22, $0x0  }
0x27: {  	(v2sf) =	vpush v21, $0x0  }
0x28: {  	(v2sf) =	vpush v22, $0x1;
	_ =	sdelay $0x1  }
0x29: {  	(v2sf) =	vpush v21, $0x1  }
0x2a: {  	(v2sf) =	vpush v22, $0x2;
	_ =	sdelay $0x1  }
0x2b: {  	(v2sf) =	vpush v21, $0x2;
	_ =	sdelay $0x1  }
0x2c: {  	(v2sf) =	vpush v22, $0x3;
	_ =	sdelay $0x1  }
0x2d: {  	s19 =	simm.s32 $0x2000;
	s18 =	simm.s32 $0x0;
	(v2sf) =	vpush v21, $0x3  }
0x2e: {  	s8 =	simm.s32 $0x8400;
	s7 =	simm.s32 $0x680;
	s6 =	simm.s32 $0x880  }
0x2f: {  	s3 =	simm.s32 $0x400;
	s10 =	simm.s32 $0x600;
	s20 =	simm.s32 $0x480  }
0x30: {  	s22 =	simm.s32 $0x8480;
	s25 =	simm.s32 $0x500;
	s30 =	simm.s32 $0x8500  }
0x31: {  	s28 =	simm.s32 $0xA00;
	p0 =	por p1, p1;
	s9 =	spop (v2sf)  }
0x32: {  	s15 =	simm.s32 $0x8580;
	s9 =	sand.u32 $0x1FFFFFF0, s9;
	s11 =	spop (v2sf)  }
0x33: {  	(v2sf) =	vpush v22, $0x4;
	s9 =	sadd.s32 s4, s9;
	s11 =	sand.u32 $0x1FFFFFF0, s11;
	s12 =	spop (v2sf)  }
0x34: {  	[tilespmem:s3], [sflag:$0x1] =	stream.linear.gather [hbm4b:s9+s2], $0x80, $0x38;
	[tilespmem:$0x10E80] =	vst v63  }
0x35: {  	(v2sf) =	vpush v21, $0x4;
	s3 =	simm.s32 $0x8900;
	s16 =	sadd.s32 s5, s11;
	s21 =	spop (v2sf)  }
0x36: {  	s17 =	sand.u32 $0x1FFFFFF0, s12;
	s12 =	simm.s32 $0x580;
	s23 =	spop (v2sf)  }
0x37: {  	[tilespmem:s8], [sflag:$0x1] =	stream.linear.gather [hbm4b:s16+s2], $0x80, $0x38;
	[tilespmem:$0x10E80] =	vst v63  }
0x38: {  	(v2sf) =	vpush v22, $0x5;
	s11 =	sadd.s32 s4, s17;
	s9 =	sand.u32 $0x1FFFFFF0, s21;
	s24 =	spop (v2sf)  }
0x39: {  	(v2sf) =	vpush v21, $0x5;
	[tilespmem:s20], [sflag:$0x1] =	stream.linear.gather [hbm4b:s11+s2], $0x80, $0x38;
	[tilespmem:$0x10E80] =	vst v63  }
0x3a: {  	s9 =	sadd.s32 s5, s9;
	s31 =	spop (v2sf);
	s11 =	sand.u32 $0x1FFFFFF0, s23  }
0x3b: {  	(v2sf) =	vpush v22, $0x6;
	[tilespmem:s22], [sflag:$0x1] =	stream.linear.gather [hbm4b:s9+s2], $0x80, $0x38;
	[tilespmem:$0x10E80] =	vst v63  }
0x3c: {  	s29 =	sand.u32 $0x1FFFFFF0, s24;
	s13 =	spop (v2sf);
	s26 =	sadd.s32 s4, s11  }
0x3d: {  	(v2sf) =	vpush v21, $0x6;
	[tilespmem:s25], [sflag:$0x1] =	stream.linear.gather [hbm4b:s26+s2], $0x80, $0x38;
	[tilespmem:$0x10E80] =	vst v63  }
0x3e: {  	s11 =	sadd.s32 s5, s29;
	s29 =	simm.s32 $0x8680;
	s9 =	sand.u32 $0x1FFFFFF0, s31  }
0x3f: {  	(v2sf) =	vpush v22, $0x7;
	[tilespmem:s30], [sflag:$0x1] =	stream.linear.gather [hbm4b:s11+s2], $0x80, $0x38;
	[tilespmem:$0x10E80] =	vst v63  }
0x40: {  	s22 =	simm.s32 $0x8600;
	s9 =	sadd.s32 s4, s9;
	s11 =	sand.u32 $0x1FFFFFF0, s13  }
0x41: {  	[tilespmem:s12], [sflag:$0x1] =	stream.linear.gather [hbm4b:s9+s2], $0x80, $0x38;
	[tilespmem:$0x10E80] =	vst v63  }
0x42: {  	s31 =	simm.s32 $0x700;
	s16 =	sadd.s32 s5, s11;
	s14 =	spop (v2sf)  }
0x43: {  	(v2sf) =	vpush v21, $0x7;
	[tilespmem:s15], [sflag:$0x1] =	stream.linear.gather [hbm4b:s16+s2], $0x80, $0x38;
	[tilespmem:$0x10E80] =	vst v63  }
0x44: {  	s13 =	simm.s32 $0xA80;
	s17 =	sand.u32 $0x1FFFFFF0, s14;
	s20 =	spop (v2sf)  }
0x45: {  	(v2sf) =	vpush v22, $0x8;
	s14 =	simm.s32 $0x8700;
	s21 =	sadd.s32 s4, s17;
	s8 =	sand.u32 $0x1FFFFFF0, s20  }
0x46: {  	(v2sf) =	vpush v21, $0x8;
	[tilespmem:s10], [sflag:$0x1] =	stream.linear.gather [hbm4b:s21+s2], $0x80, $0x38;
	[tilespmem:$0x10E80] =	vst v63  }
0x47: {  	s17 =	simm.s32 $0x780;
	s23 =	spop (v2sf);
	s8 =	sadd.s32 s5, s8  }
0x48: {  	s10 =	sand.u32 $0x1FFFFFF0, s23;
	s24 =	spop (v2sf);
	(v2sf) =	vpush v22, $0x9;
	s21 =	simm.s32 $0x8780  }
0x49: {  	[tilespmem:s22], [sflag:$0x1] =	stream.linear.gather [hbm4b:s8+s2], $0x80, $0x38;
	[tilespmem:$0x10E80] =	vst v63  }
0x4a: {  	s25 =	sadd.s32 s4, s10;
	s26 =	sand.u32 $0x1FFFFFF0, s24;
	s30 =	spop (v2sf);
	(v2sf) =	vpush v21, $0x9  }
0x4b: {  	[tilespmem:s7], [sflag:$0x1] =	stream.linear.gather [hbm4b:s25+s2], $0x80, $0x38;
	[tilespmem:$0x10E80] =	vst v63  }
0x4c: {  	s9 =	sadd.s32 s5, s26;
	(v2sf) =	vpush v22, $0xA;
	s8 =	sand.u32 $0x1FFFFFF0, s30;
	s10 =	spop (v2sf)  }
0x4d: {  	[tilespmem:s29], [sflag:$0x1] =	stream.linear.gather [hbm4b:s9+s2], $0x80, $0x38;
	[tilespmem:$0x10E80] =	vst v63  }
0x4e: {  	s8 =	sadd.s32 s4, s8;
	s11 =	spop (v2sf);
	(v2sf) =	vpush v21, $0xA;
	s9 =	sand.u32 $0x1FFFFFF0, s10  }
0x4f: {  	[tilespmem:s31], [sflag:$0x1] =	stream.linear.gather [hbm4b:s8+s2], $0x80, $0x38;
	[tilespmem:$0x10E80] =	vst v63  }
0x50: {  	s24 =	simm.s32 $0x800;
	s16 =	sand.u32 $0x1FFFFFF0, s11;
	s15 =	sadd.s32 s5, s9  }
0x51: {  	[tilespmem:s14], [sflag:$0x1] =	stream.linear.gather [hbm4b:s15+s2], $0x80, $0x38;
	[tilespmem:$0x10E80] =	vst v63  }
0x52: {  	s29 =	simm.s32 $0x8800;
	s9 =	sadd.s32 s4, s16;
	s20 =	spop (v2sf);
	(v2sf) =	vpush v22, $0xB  }
0x53: {  	[tilespmem:s17], [sflag:$0x1] =	stream.linear.gather [hbm4b:s9+s2], $0x80, $0x38;
	[tilespmem:$0x10E80] =	vst v63  }
0x54: {  	s15 =	simm.s32 $0x8880;
	(v2sf) =	vpush v21, $0xB;
	s8 =	sand.u32 $0x1FFFFFF0, s20;
	s22 =	spop (v2sf)  }
0x55: {  	s8 =	sadd.s32 s5, s8;
	s9 =	sand.u32 $0x1FFFFFF0, s22;
	s23 =	spop (v2sf)  }
0x56: {  	[tilespmem:s21], [sflag:$0x1] =	stream.linear.gather [hbm4b:s8+s2], $0x80, $0x38;
	[tilespmem:$0x10E80] =	vst v63  }
0x57: {  	s25 =	sadd.s32 s4, s9;
	s26 =	sand.u32 $0x1FFFFFF0, s23;
	s30 =	spop (v2sf)  }
0x58: {  	[tilespmem:s24], [sflag:$0x1] =	stream.linear.gather [hbm4b:s25+s2], $0x80, $0x38;
	[tilespmem:$0x10E80] =	vst v63  }
0x59: {  	(v2sf) =	vpush v22, $0xC;
	s9 =	sadd.s32 s5, s26;
	s8 =	sand.u32 $0x1FFFFFF0, s30;
	s11 =	spop (v2sf)  }
0x5a: {  	(v2sf) =	vpush v21, $0xC;
	[tilespmem:s29], [sflag:$0x1] =	stream.linear.gather [hbm4b:s9+s2], $0x80, $0x38;
	[tilespmem:$0x10E80] =	vst v63  }
0x5b: {  	s8 =	sadd.s32 s4, s8;
	s14 =	spop (v2sf);
	s9 =	sand.u32 $0x1FFFFFF0, s11  }
0x5c: {  	[tilespmem:s6], [sflag:$0x1] =	stream.linear.gather [hbm4b:s8+s2], $0x80, $0x38;
	[tilespmem:$0x10E80] =	vst v63  }
0x5d: {  	s17 =	sand.u32 $0x1FFFFFF0, s14;
	s21 =	spop (v2sf);
	s16 =	sadd.s32 s5, s9  }
0x5e: {  	[tilespmem:s15], [sflag:$0x1] =	stream.linear.gather [hbm4b:s16+s2], $0x80, $0x38;
	[tilespmem:$0x10E80] =	vst v63  }
0x5f: {  	s20 =	simm.s32 $0x900;
	s9 =	sadd.s32 s4, s17;
	s22 =	sand.u32 $0x1FFFFFF0, s21  }
0x60: {  	[tilespmem:s20], [sflag:$0x1] =	stream.linear.gather [hbm4b:s9+s2], $0x80, $0x38;
	[tilespmem:$0x10E80] =	vst v63  }
0x61: {  	s12 =	simm.s32 $0x8A00;
	s6 =	sadd.s32 s5, s22;
	s23 =	spop (v2sf)  }
0x62: {  	[tilespmem:s3], [sflag:$0x1] =	stream.linear.gather [hbm4b:s6+s2], $0x80, $0x38;
	[tilespmem:$0x10E80] =	vst v63  }
0x63: {  	s31 =	simm.s32 $0x8980;
	s8 =	sand.u32 $0x1FFFFFF0, s23;
	s24 =	spop (v2sf)  }
0x64: {  	s25 =	simm.s32 $0x980;
	(v2sf) =	vpush v22, $0xD;
	s26 =	sadd.s32 s4, s8;
	s29 =	sand.u32 $0x1FFFFFF0, s24  }
0x65: {  	(v2sf) =	vpush v21, $0xD;
	[tilespmem:s25], [sflag:$0x1] =	stream.linear.gather [hbm4b:s26+s2], $0x80, $0x38;
	[tilespmem:$0x10E80] =	vst v63  }
0x66: {  	s22 =	sadd.s32 $0x10, s1;
	s15 =	simm.s32 $0x8A80;
	(v2sf) =	vpush v22, $0xE;
	s30 =	sadd.s32 s5, s29  }
0x67: {  	(v2sf) =	vpush v21, $0xE;
	[tilespmem:s31], [sflag:$0x1] =	stream.linear.gather [hbm4b:s30+s2], $0x80, $0x38;
	[tilespmem:$0x10E80] =	vst v63  }
0x68: {  	s23 =	sadd.s32 $0x10, s0;
	s26 =	simm.s32 $0xB00;
	(v2sf) =	vpush v22, $0xF;
	s31 =	spop (v2sf)  }
0x69: {  	s25 =	simm.s32 $0x8B00;
	(v2sf) =	vpush v21, $0xF;
	s0 =	sand.u32 $0x1FFFFFF0, s31;
	s1 =	spop (v2sf)  }
.LBB2_3:
0x6a: {  	_ =	sdelay $0x4  }
0x6b: {  	s0 =	sadd.s32 s4, s0;
	s1 =	sand.u32 $0x1FFFFFF0, s1  }
0x6c: {  	[tilespmem:s28], [sflag:$0x1] =	stream.linear.gather [hbm4b:s0+s2], $0x80, $0x38;
	[tilespmem:$0x10E80] =	vst v63  }
0x6d: {  	s20 =	sadd.s32 s5, s1  }
0x6e: {  	[tilespmem:s12], [sflag:$0x1] =	stream.linear.gather [hbm4b:s20+s2], $0x80, $0x38;
	[tilespmem:$0x10E80] =	vst v63  }
0x6f: {  	s3 =	spop (v2sf)  }
0x70: {  	s21 =	sand.u32 $0x1FFFFFF0, s3;
	s24 =	spop (v2sf)  }
0x71: {  	s29 =	sadd.s32 s4, s21;
	s30 =	sand.u32 $0x1FFFFFF0, s24;
	s31 =	spop (v2sf)  }
0x72: {  	[tilespmem:s13], [sflag:$0x1] =	stream.linear.gather [hbm4b:s29+s2], $0x80, $0x38;
	[tilespmem:$0x10E80] =	vst v63  }
0x73: {  	s1 =	sadd.s32 s5, s30;
	s3 =	sand.u32 $0x1FFFFFF0, s31;
	s6 =	spop (v2sf)  }
0x74: {  	[tilespmem:s15], [sflag:$0x1] =	stream.linear.gather [hbm4b:s1+s2], $0x80, $0x38;
	[tilespmem:$0x10E80] =	vst v63  }
0x75: {  	s7 =	sadd.s32 s4, s3;
	s8 =	sand.u32 $0x1FFFFFF0, s6;
	s9 =	spop (v2sf)  }
0x76: {  	[tilespmem:s26], [sflag:$0x1] =	stream.linear.gather [hbm4b:s7+s2], $0x80, $0x38;
	[tilespmem:$0x10E80] =	vst v63  }
0x77: {  	s10 =	sadd.s32 s5, s8;
	s11 =	sand.u32 $0x1FFFFFF0, s9;
	s12 =	spop (v2sf)  }
0x78: {  	[tilespmem:s25], [sflag:$0x1] =	stream.linear.gather [hbm4b:s10+s2], $0x80, $0x38;
	[tilespmem:$0x10E80] =	vst v63  }
0x79: {  	s13 =	sadd.s32 $0xB80, s18;
	s1 =	sadd.s32 s4, s11;
	s3 =	sand.u32 $0x1FFFFFF0, s12  }
0x7a: {  	[tilespmem:s13], [sflag:$0x1] =	stream.linear.gather [hbm4b:s1+s2], $0x80, $0x38;
	[tilespmem:$0x10E80] =	vst v63  }
0x7b: {  	s14 =	sadd.s32 $0x8B80, s18;
	s15 =	sadd.s32 s5, s3  }
0x7c: {  	[tilespmem:s14], [sflag:$0x1] =	stream.linear.gather [hbm4b:s15+s2], $0x80, $0x38;
	[tilespmem:$0x10E80] =	vst v63  }
0x7d: {  	v21 =	vld [tilespmem:s22+$0x0]  }
0x7e: {  	v23 =	vld [tilespmem:s23+$0x0];
	_ =	sdelay $0x3  }
0x7f: {  	v22 =	vshll.u32 v21, $0x4  }
0x80: {  	s16 =	smov.u32 s19;
	v21 =	vshll.u32 v23, $0x4;
	(v2sf) =	vpush v22, $0x0  }
0x81: {  	s18 =	sshra.s32 s16, $0x2;
	(v2sf) =	vpush v21, $0x0  }
0x82: {  	p1 =	sne.s32 s19, $0x1E000;
	s19 =	sadd.s32 $0x2000, s19;
	s30 =	sadd.s32 $0x8400, s18;
	(v2sf) =	vpush v22, $0x1  }
0x83: {  	s0 =	sadd.s32 $0x680, s18;
	s17 =	sadd.s32 $0x880, s18;
	s29 =	sadd.s32 $0x400, s18  }
0x84: {  	s16 =	sadd.s32 $0x600, s18;
	s20 =	sadd.s32 $0x8900, s18;
	s6 =	sadd.s32 $0x8A00, s18;
	(v2sf) =	vpush v21, $0x1  }
0x85: {  	s31 =	sadd.s32 $0x8480, s18;
	s21 =	sadd.s32 $0x8980, s18;
	[dreg:$0xd] =	wrdreg s0  }
0x86: {  	s24 =	sadd.s32 $0x8880, s18;
	s28 =	sadd.s32 $0xA00, s18;
	[dreg:$0x8] =	wrdreg s17;
	(v2sf) =	vpush v22, $0x2  }
0x87: {  	[dreg:$0x6] =	wrdreg s20;
	s17 =	sadd.s32 $0x8580, s18;
	s20 =	sadd.s32 $0x500, s18  }
0x88: {  	s0 =	sadd.s32 $0x8500, s18;
	s9 =	sadd.s32 $0x700, s18;
	[dreg:$0x7] =	wrdreg s21;
	(v2sf) =	vpush v21, $0x2  }
0x89: {  	s8 =	sadd.s32 $0x8700, s18;
	[dreg:$0xa] =	wrdreg s24;
	s11 =	sadd.s32 $0x8780, s18  }
0x8a: {  	s21 =	sadd.s32 $0x480, s18;
	s12 =	sadd.s32 $0x800, s18;
	[dreg:$0xe] =	wrdreg s11;
	(v2sf) =	vpush v22, $0x3  }
0x8b: {  	s3 =	sadd.s32 $0x8600, s18;
	s26 =	sadd.s32 $0x8800, s18;
	[dreg:$0xc] =	wrdreg s12  }
0x8c: {  	s7 =	sadd.s32 $0x780, s18;
	[dreg:$0xb] =	wrdreg s26;
	s25 =	sadd.s32 $0x900, s18;
	(v2sf) =	vpush v21, $0x3  }
0x8d: {  	s26 =	sadd.s32 $0xB00, s18;
	s10 =	sadd.s32 $0x8680, s18;
	[dreg:$0x9] =	wrdreg s25  }
0x8e: {  	s25 =	sadd.s32 $0x8B00, s18;
	s13 =	sadd.s32 $0xA80, s18;
	s1 =	sadd.s32 $0x980, s18;
	(v2sf) =	vpush v22, $0x4  }
0x8f: {  	s14 =	sadd.s32 $0x580, s18;
	s15 =	sadd.s32 $0x8A80, s18;
	s24 =	spop (v2sf)  }
0x90: {  	s22 =	sadd.s32 $0x10, s22;
	s24 =	sand.u32 $0x1FFFFFF0, s24;
	s11 =	spop (v2sf);
	(v2sf) =	vpush v21, $0x4  }
0x91: {  	s24 =	sadd.s32 s4, s24;
	s11 =	sand.u32 $0x1FFFFFF0, s11;
	s12 =	spop (v2sf)  }
0x92: {  	(v2sf) =	vpush v22, $0x5;
	[tilespmem:s29], [sflag:$0x1] =	stream.linear.gather [hbm4b:s24+s2], $0x80, $0x38;
	[tilespmem:$0x10E80] =	vst v63  }
0x93: {  	s11 =	sadd.s32 s5, s11;
	s12 =	sand.u32 $0x1FFFFFF0, s12;
	s29 =	spop (v2sf)  }
0x94: {  	[tilespmem:s30], [sflag:$0x1] =	stream.linear.gather [hbm4b:s11+s2], $0x80, $0x38;
	[tilespmem:$0x10E80] =	vst v63  }
0x95: {  	(v2sf) =	vpush v21, $0x5;
	s12 =	sadd.s32 s4, s12;
	s29 =	sand.u32 $0x1FFFFFF0, s29;
	s30 =	spop (v2sf)  }
0x96: {  	(v2sf) =	vpush v22, $0x6;
	[tilespmem:s21], [sflag:$0x1] =	stream.linear.gather [hbm4b:s12+s2], $0x80, $0x38;
	[tilespmem:$0x10E80] =	vst v63  }
0x97: {  	s24 =	spop (v2sf);
	s12 =	sadd.s32 s5, s29;
	s21 =	sand.u32 $0x1FFFFFF0, s30  }
0x98: {  	(v2sf) =	vpush v21, $0x6;
	[tilespmem:s31], [sflag:$0x1] =	stream.linear.gather [hbm4b:s12+s2], $0x80, $0x38;
	[tilespmem:$0x10E80] =	vst v63  }
0x99: {  	s30 =	sand.u32 $0x1FFFFFF0, s24;
	s29 =	sadd.s32 s4, s21;
	s31 =	spop (v2sf)  }
0x9a: {  	(v2sf) =	vpush v22, $0x7;
	[tilespmem:s20], [sflag:$0x1] =	stream.linear.gather [hbm4b:s29+s2], $0x80, $0x38;
	[tilespmem:$0x10E80] =	vst v63  }
0x9b: {  	s21 =	sand.u32 $0x1FFFFFF0, s31;
	s24 =	spop (v2sf);
	s20 =	sadd.s32 s5, s30  }
0x9c: {  	(v2sf) =	vpush v21, $0x7;
	[tilespmem:s0], [sflag:$0x1] =	stream.linear.gather [hbm4b:s20+s2], $0x80, $0x38;
	[tilespmem:$0x10E80] =	vst v63  }
0x9d: {  	s29 =	sadd.s32 s4, s21;
	s30 =	sand.u32 $0x1FFFFFF0, s24;
	s31 =	spop (v2sf)  }
0x9e: {  	[tilespmem:s14], [sflag:$0x1] =	stream.linear.gather [hbm4b:s29+s2], $0x80, $0x38;
	[tilespmem:$0x10E80] =	vst v63  }
0x9f: {  	s11 =	sadd.s32 s5, s30;
	s12 =	sand.u32 $0x1FFFFFF0, s31;
	s14 =	spop (v2sf)  }
0xa0: {  	(v2sf) =	vpush v22, $0x8;
	[tilespmem:s17], [sflag:$0x1] =	stream.linear.gather [hbm4b:s11+s2], $0x80, $0x38;
	[tilespmem:$0x10E80] =	vst v63  }
0xa1: {  	s23 =	sadd.s32 $0x10, s23;
	s20 =	sadd.s32 s4, s12;
	s24 =	spop (v2sf)  }
0xa2: {  	s12 =	smov.u32 s6;
	(v2sf) =	vpush v21, $0x8;
	s21 =	sand.u32 $0x1FFFFFF0, s14;
	s30 =	sand.u32 $0x1FFFFFF0, s24  }
0xa3: {  	(v2sf) =	vpush v22, $0x9;
	[tilespmem:s16], [sflag:$0x1] =	stream.linear.gather [hbm4b:s20+s2], $0x80, $0x38;
	[tilespmem:$0x10E80] =	vst v63  }
0xa4: {  	s29 =	sadd.s32 s5, s21;
	s31 =	spop (v2sf);
	s14 =	sadd.s32 s4, s30  }
0xa5: {  	s16 =	sand.u32 $0x1FFFFFF0, s31;
	s20 =	rddreg [dreg:$0xd];
	s17 =	spop (v2sf)  }
0xa6: {  	[tilespmem:s3], [sflag:$0x1] =	stream.linear.gather [hbm4b:s29+s2], $0x80, $0x38;
	[tilespmem:$0x10E80] =	vst v63  }
0xa7: {  	(v2sf) =	vpush v21, $0x9;
	s21 =	sadd.s32 s5, s16;
	s24 =	sand.u32 $0x1FFFFFF0, s17;
	s29 =	spop (v2sf)  }
0xa8: {  	[tilespmem:s20], [sflag:$0x1] =	stream.linear.gather [hbm4b:s14+s2], $0x80, $0x38;
	[tilespmem:$0x10E80] =	vst v63  }
0xa9: {  	(v2sf) =	vpush v22, $0xA;
	s30 =	sadd.s32 s4, s24;
	s31 =	sand.u32 $0x1FFFFFF0, s29;
	s6 =	spop (v2sf)  }
0xaa: {  	[tilespmem:s10], [sflag:$0x1] =	stream.linear.gather [hbm4b:s21+s2], $0x80, $0x38;
	[tilespmem:$0x10E80] =	vst v63  }
0xab: {  	(v2sf) =	vpush v21, $0xA;
	s11 =	sadd.s32 s5, s31;
	s14 =	sand.u32 $0x1FFFFFF0, s6;
	s16 =	spop (v2sf)  }
0xac: {  	[tilespmem:s9], [sflag:$0x1] =	stream.linear.gather [hbm4b:s30+s2], $0x80, $0x38;
	[tilespmem:$0x10E80] =	vst v63  }
0xad: {  	s31 =	rddreg [dreg:$0xe];
	s17 =	sadd.s32 s4, s14;
	s20 =	sand.u32 $0x1FFFFFF0, s16  }
0xae: {  	[tilespmem:s8], [sflag:$0x1] =	stream.linear.gather [hbm4b:s11+s2], $0x80, $0x38;
	[tilespmem:$0x10E80] =	vst v63  }
0xaf: {  	(v2sf) =	vpush v22, $0xB;
	s21 =	spop (v2sf);
	s16 =	rddreg [dreg:$0xb];
	s24 =	sadd.s32 s5, s20  }
0xb0: {  	[tilespmem:s7], [sflag:$0x1] =	stream.linear.gather [hbm4b:s17+s2], $0x80, $0x38;
	[tilespmem:$0x10E80] =	vst v63  }
0xb1: {  	(v2sf) =	vpush v21, $0xB;
	s29 =	sand.u32 $0x1FFFFFF0, s21;
	s9 =	rddreg [dreg:$0xc];
	s30 =	spop (v2sf)  }
0xb2: {  	(v2sf) =	vpush v22, $0xC;
	s3 =	sadd.s32 s4, s29;
	s6 =	sand.u32 $0x1FFFFFF0, s30;
	s8 =	spop (v2sf)  }
0xb3: {  	[tilespmem:s31], [sflag:$0x1] =	stream.linear.gather [hbm4b:s24+s2], $0x80, $0x38;
	[tilespmem:$0x10E80] =	vst v63  }
0xb4: {  	(v2sf) =	vpush v21, $0xC;
	s10 =	sadd.s32 s5, s6;
	s11 =	sand.u32 $0x1FFFFFF0, s8;
	s24 =	rddreg [dreg:$0x8]  }
0xb5: {  	[tilespmem:s9], [sflag:$0x1] =	stream.linear.gather [hbm4b:s3+s2], $0x80, $0x38;
	[tilespmem:$0x10E80] =	vst v63  }
0xb6: {  	s14 =	spop (v2sf);
	s8 =	rddreg [dreg:$0xa];
	s17 =	sadd.s32 s4, s11  }
0xb7: {  	[tilespmem:s16], [sflag:$0x1] =	stream.linear.gather [hbm4b:s10+s2], $0x80, $0x38;
	[tilespmem:$0x10E80] =	vst v63  }
0xb8: {  	s20 =	sand.u32 $0x1FFFFFF0, s14;
	s14 =	rddreg [dreg:$0x9];
	s21 =	spop (v2sf)  }
0xb9: {  	[tilespmem:s24], [sflag:$0x1] =	stream.linear.gather [hbm4b:s17+s2], $0x80, $0x38;
	[tilespmem:$0x10E80] =	vst v63  }
0xba: {  	s29 =	sadd.s32 s5, s20;
	s30 =	sand.u32 $0x1FFFFFF0, s21;
	s31 =	spop (v2sf)  }
0xbb: {  	[tilespmem:s8], [sflag:$0x1] =	stream.linear.gather [hbm4b:s29+s2], $0x80, $0x38;
	[tilespmem:$0x10E80] =	vst v63  }
0xbc: {  	s21 =	rddreg [dreg:$0x6];
	s9 =	sadd.s32 s4, s30;
	s10 =	sand.u32 $0x1FFFFFF0, s31  }
0xbd: {  	[tilespmem:s14], [sflag:$0x1] =	stream.linear.gather [hbm4b:s9+s2], $0x80, $0x38;
	[tilespmem:$0x10E80] =	vst v63  }
0xbe: {  	s31 =	rddreg [dreg:$0x7];
	s16 =	sadd.s32 s5, s10;
	s11 =	spop (v2sf)  }
0xbf: {  	(v2sf) =	vpush v22, $0xD;
	[tilespmem:s21], [sflag:$0x1] =	stream.linear.gather [hbm4b:s16+s2], $0x80, $0x38;
	[tilespmem:$0x10E80] =	vst v63  }
.Ltmp0:
0xc0: {  	(v2sf) =	vpush v21, $0xD;
	s17 =	sand.u32 $0x1FFFFFF0, s11;
	s20 =	spop (v2sf);
	(pc) =	sbr.rel @p1 .LBB2_3-.Ltmp0, $4  }
0xc1: {  	(v2sf) =	vpush v22, $0xE;
	s24 =	sadd.s32 s4, s17;
	s29 =	sand.u32 $0x1FFFFFF0, s20;
	s30 =	spop (v2sf)  }
0xc2: {  	(v2sf) =	vpush v21, $0xE;
	[tilespmem:s1], [sflag:$0x1] =	stream.linear.gather [hbm4b:s24+s2], $0x80, $0x38;
	[tilespmem:$0x10E80] =	vst v63  }
0xc3: {  	(v2sf) =	vpush v22, $0xF;
	s3 =	sadd.s32 s5, s29;
	s0 =	sand.u32 $0x1FFFFFF0, s30;
	s1 =	spop (v2sf)  }
0xc4: {  	(v2sf) =	vpush v21, $0xF;
	[tilespmem:s31], [sflag:$0x1] =	stream.linear.gather [hbm4b:s3+s2], $0x80, $0x38;
	[tilespmem:$0x10E80] =	vst v63  }
0xc5: {  	_ =	sdelay $0x4  }
0xc6: {  	s0 =	sadd.s32 s4, s0;
	s1 =	sand.u32 $0x1FFFFFF0, s1  }
0xc7: {  	[tilespmem:s28], [sflag:$0x1] =	stream.linear.gather [hbm4b:s0+s2], $0x80, $0x38;
	[tilespmem:$0x10E80] =	vst v63  }
0xc8: {  	s7 =	sadd.s32 s5, s1  }
0xc9: {  	[tilespmem:s12], [sflag:$0x1] =	stream.linear.gather [hbm4b:s7+s2], $0x80, $0x38;
	[tilespmem:$0x10E80] =	vst v63  }
0xca: {  	s3 =	spop (v2sf)  }
0xcb: {  	s8 =	sand.u32 $0x1FFFFFF0, s3;
	s9 =	spop (v2sf)  }
0xcc: {  	s10 =	sadd.s32 s4, s8;
	s11 =	sand.u32 $0x1FFFFFF0, s9;
	s12 =	spop (v2sf)  }
0xcd: {  	[tilespmem:s13], [sflag:$0x1] =	stream.linear.gather [hbm4b:s10+s2], $0x80, $0x38;
	[tilespmem:$0x10E80] =	vst v63  }
0xce: {  	s14 =	sadd.s32 s5, s11;
	s16 =	sand.u32 $0x1FFFFFF0, s12;
	s17 =	spop (v2sf)  }
0xcf: {  	[tilespmem:s15], [sflag:$0x1] =	stream.linear.gather [hbm4b:s14+s2], $0x80, $0x38;
	[tilespmem:$0x10E80] =	vst v63  }
0xd0: {  	s19 =	sadd.s32 s4, s16;
	s20 =	sand.u32 $0x1FFFFFF0, s17;
	s21 =	spop (v2sf)  }
0xd1: {  	[tilespmem:s26], [sflag:$0x1] =	stream.linear.gather [hbm4b:s19+s2], $0x80, $0x38;
	[tilespmem:$0x10E80] =	vst v63  }
0xd2: {  	s22 =	sadd.s32 s5, s20;
	s23 =	sand.u32 $0x1FFFFFF0, s21;
	s24 =	spop (v2sf)  }
0xd3: {  	[tilespmem:s25], [sflag:$0x1] =	stream.linear.gather [hbm4b:s22+s2], $0x80, $0x38;
	[tilespmem:$0x10E80] =	vst v63  }
0xd4: {  	s1 =	sadd.s32 s4, s23;
	s3 =	sand.u32 $0x1FFFFFF0, s24;
	s26 =	sadd.s32 $0xB80, s18  }
0xd5: {  	[tilespmem:s26], [sflag:$0x1] =	stream.linear.gather [hbm4b:s1+s2], $0x80, $0x38;
	[tilespmem:$0x10E80] =	vst v63  }
0xd6: {  	s30 =	simm.s32 $0x1;
	s28 =	sadd.s32 $0x8B80, s18;
	s29 =	sadd.s32 s5, s3  }
0xd7: {  	[tilespmem:s28], [sflag:$0x1] =	stream.linear.gather [hbm4b:s29+s2], $0x80, $0x38;
	[tilespmem:$0x10E80] =	vst v63  }
0xd8: {  	_ =	swait.ge [sflag:s30], $0x8000  }
0xd9: {  	[sflag:s30] =	ssyncset.done $0x0  }
0xda: {  	[sflag:s30] =	ssyncadd.s32 $0xFFFF8000  }
0xdb: {  	s20 =	simm.s32 $0x8800;
	s18 =	simm.s32 $0x0;
	_ =	swait.ge [sflag:s30], $0x8000  }
0xdc: {  	s19 =	simm.s32 $0x800;
	[sflag:s30] =	ssyncset.done $0x0;
	s31 =	rddreg [dreg:$0x14]  }
0xdd: {  	s3 =	simm.s32 $0x10480;
	[sflag:s30] =	ssyncadd.s32 $0xFFFF8000;
	s17 =	sadd.s32 $0x10C80, s31  }
.LBB2_5:
0xde: {  	v21 =	vld [tilespmem:s19+$0xFFFFFC00]  }
0xdf: {  	v22 =	vld [tilespmem:s20+$0xFFFFFC00]  }
0xe0: {  	v23 =	vld [tilespmem:s19+$0xFFFFFC10]  }
0xe1: {  	v24 =	vld [tilespmem:s20+$0xFFFFFC10]  }
0xe2: {  	v25 =	vld [tilespmem:s19+$0xFFFFFC20]  }
0xe3: {  	v26 =	vld [tilespmem:s20+$0xFFFFFC20];
	_ =	sdelay $0x1  }
0xe4: {  	v27 =	vld [tilespmem:s19+$0xFFFFFC30]  }
0xe5: {  	v21 =	vmul.f32 v22, v21;
	v22 =	vld [tilespmem:s20+$0xFFFFFC30]  }
0xe6: {  	v23 =	vmul.f32 v24, v23  }
0xe7: {  	v54 =	vmul.f32 v26, v25  }
0xe8: {  	v21 =	vmul.f32 v21, v16;
	v23 =	vmul.f32 v23, v17;
	_ =	sdelay $0x1  }
0xe9: {  	v21 =	vadd.f32 v23, v21;
	v23 =	vmul.f32 v54, v18;
	v22 =	vmul.f32 v22, v27;
	_ =	sdelay $0x1  }
0xea: {  	v21 =	vadd.f32 v23, v21;
	v22 =	vmul.f32 v22, v19;
	_ =	sdelay $0x1  }
0xeb: {  	v21 =	vadd.f32 v22, v21;
	_ =	sdelay $0x1  }
0xec: {  	[tilespmem:$0x10480] =	vst v21  }
0xed: {  	v21 =	vld [tilespmem:s19+$0xFFFFFC80]  }
0xee: {  	v22 =	vld [tilespmem:s20+$0xFFFFFC80]  }
0xef: {  	v23 =	vld [tilespmem:s19+$0xFFFFFC90]  }
0xf0: {  	v55 =	vld [tilespmem:s20+$0xFFFFFC90]  }
0xf1: {  	v56 =	vld [tilespmem:s19+$0xFFFFFCA0]  }
0xf2: {  	v57 =	vld [tilespmem:s20+$0xFFFFFCA0];
	_ =	sdelay $0x1  }
0xf3: {  	v58 =	vld [tilespmem:s19+$0xFFFFFCB0]  }
0xf4: {  	v21 =	vmul.f32 v22, v21;
	v22 =	vld [tilespmem:s20+$0xFFFFFCB0]  }
0xf5: {  	v23 =	vmul.f32 v55, v23  }
0xf6: {  	v59 =	vmul.f32 v57, v56  }
0xf7: {  	v21 =	vmul.f32 v21, v16;
	v23 =	vmul.f32 v23, v17;
	_ =	sdelay $0x1  }
0xf8: {  	v21 =	vadd.f32 v23, v21;
	v23 =	vmul.f32 v59, v18;
	v22 =	vmul.f32 v22, v58;
	_ =	sdelay $0x1  }
0xf9: {  	v21 =	vadd.f32 v23, v21;
	v22 =	vmul.f32 v22, v19;
	_ =	sdelay $0x1  }
0xfa: {  	v21 =	vadd.f32 v22, v21;
	_ =	sdelay $0x1  }
0xfb: {  	[tilespmem:$0x10500] =	vst v21  }
0xfc: {  	v21 =	vld [tilespmem:s19+$0xFFFFFD00]  }
0xfd: {  	v22 =	vld [tilespmem:s20+$0xFFFFFD00]  }
0xfe: {  	v23 =	vld [tilespmem:s19+$0xFFFFFD10]  }
0xff: {  	v60 =	vld [tilespmem:s20+$0xFFFFFD10]  }
0x100: {  	v61 =	vld [tilespmem:s19+$0xFFFFFD20]  }
0x101: {  	v62 =	vld [tilespmem:s20+$0xFFFFFD20];
	_ =	sdelay $0x1  }
0x102: {  	v63 =	vld [tilespmem:s19+$0xFFFFFD30]  }
0x103: {  	v21 =	vmul.f32 v22, v21;
	v22 =	vld [tilespmem:s20+$0xFFFFFD30]  }
0x104: {  	v23 =	vmul.f32 v60, v23  }
0x105: {  	v29 =	vmul.f32 v62, v61  }
0x106: {  	v21 =	vmul.f32 v21, v16;
	v23 =	vmul.f32 v23, v17;
	_ =	sdelay $0x1  }
0x107: {  	v21 =	vadd.f32 v23, v21;
	v23 =	vmul.f32 v29, v18;
	v22 =	vmul.f32 v22, v63;
	_ =	sdelay $0x1  }
0x108: {  	v21 =	vadd.f32 v23, v21;
	v22 =	vmul.f32 v22, v19;
	_ =	sdelay $0x1  }
0x109: {  	v21 =	vadd.f32 v22, v21;
	_ =	sdelay $0x1  }
0x10a: {  	[tilespmem:$0x10580] =	vst v21  }
0x10b: {  	v21 =	vld [tilespmem:s19+$0xFFFFFD80]  }
0x10c: {  	v22 =	vld [tilespmem:s20+$0xFFFFFD80]  }
0x10d: {  	v23 =	vld [tilespmem:s19+$0xFFFFFD90]  }
0x10e: {  	v30 =	vld [tilespmem:s20+$0xFFFFFD90]  }
0x10f: {  	v31 =	vld [tilespmem:s19+$0xFFFFFDA0]  }
0x110: {  	v32 =	vld [tilespmem:s20+$0xFFFFFDA0];
	_ =	sdelay $0x1  }
0x111: {  	v33 =	vld [tilespmem:s19+$0xFFFFFDB0]  }
0x112: {  	v21 =	vmul.f32 v22, v21;
	v22 =	vld [tilespmem:s20+$0xFFFFFDB0]  }
0x113: {  	v23 =	vmul.f32 v30, v23  }
0x114: {  	v34 =	vmul.f32 v32, v31  }
0x115: {  	v21 =	vmul.f32 v21, v16;
	v23 =	vmul.f32 v23, v17;
	_ =	sdelay $0x1  }
0x116: {  	v21 =	vadd.f32 v23, v21;
	v23 =	vmul.f32 v34, v18;
	v22 =	vmul.f32 v22, v33;
	_ =	sdelay $0x1  }
0x117: {  	v21 =	vadd.f32 v23, v21;
	v22 =	vmul.f32 v22, v19;
	_ =	sdelay $0x1  }
0x118: {  	v21 =	vadd.f32 v22, v21;
	_ =	sdelay $0x1  }
0x119: {  	[tilespmem:$0x10600] =	vst v21  }
0x11a: {  	v21 =	vld [tilespmem:s19+$0xFFFFFE00]  }
0x11b: {  	v22 =	vld [tilespmem:s20+$0xFFFFFE00]  }
0x11c: {  	v23 =	vld [tilespmem:s19+$0xFFFFFE10]  }
0x11d: {  	v35 =	vld [tilespmem:s20+$0xFFFFFE10]  }
0x11e: {  	v36 =	vld [tilespmem:s19+$0xFFFFFE20]  }
0x11f: {  	v37 =	vld [tilespmem:s20+$0xFFFFFE20];
	_ =	sdelay $0x1  }
0x120: {  	v38 =	vld [tilespmem:s19+$0xFFFFFE30]  }
0x121: {  	v21 =	vmul.f32 v22, v21;
	v22 =	vld [tilespmem:s20+$0xFFFFFE30]  }
0x122: {  	v23 =	vmul.f32 v35, v23  }
0x123: {  	v39 =	vmul.f32 v37, v36  }
0x124: {  	v21 =	vmul.f32 v21, v16;
	v23 =	vmul.f32 v23, v17;
	_ =	sdelay $0x1  }
0x125: {  	v21 =	vadd.f32 v23, v21;
	v23 =	vmul.f32 v39, v18;
	v22 =	vmul.f32 v22, v38;
	_ =	sdelay $0x1  }
0x126: {  	v21 =	vadd.f32 v23, v21;
	v22 =	vmul.f32 v22, v19;
	_ =	sdelay $0x1  }
0x127: {  	v21 =	vadd.f32 v22, v21;
	_ =	sdelay $0x1  }
0x128: {  	[tilespmem:$0x10680] =	vst v21  }
0x129: {  	v21 =	vld [tilespmem:s19+$0xFFFFFE80]  }
0x12a: {  	v22 =	vld [tilespmem:s20+$0xFFFFFE80]  }
0x12b: {  	v23 =	vld [tilespmem:s19+$0xFFFFFE90]  }
0x12c: {  	v40 =	vld [tilespmem:s20+$0xFFFFFE90]  }
0x12d: {  	v41 =	vld [tilespmem:s19+$0xFFFFFEA0]  }
0x12e: {  	v42 =	vld [tilespmem:s20+$0xFFFFFEA0];
	_ =	sdelay $0x1  }
0x12f: {  	v43 =	vld [tilespmem:s19+$0xFFFFFEB0]  }
0x130: {  	v21 =	vmul.f32 v22, v21;
	v22 =	vld [tilespmem:s20+$0xFFFFFEB0]  }
0x131: {  	v23 =	vmul.f32 v40, v23  }
0x132: {  	v44 =	vmul.f32 v42, v41  }
0x133: {  	v21 =	vmul.f32 v21, v16;
	v23 =	vmul.f32 v23, v17;
	_ =	sdelay $0x1  }
0x134: {  	v21 =	vadd.f32 v23, v21;
	v23 =	vmul.f32 v44, v18;
	v22 =	vmul.f32 v22, v43;
	_ =	sdelay $0x1  }
0x135: {  	v21 =	vadd.f32 v23, v21;
	v22 =	vmul.f32 v22, v19;
	_ =	sdelay $0x1  }
0x136: {  	v21 =	vadd.f32 v22, v21;
	_ =	sdelay $0x1  }
0x137: {  	[tilespmem:$0x10700] =	vst v21  }
0x138: {  	v21 =	vld [tilespmem:s19+$0xFFFFFF00]  }
0x139: {  	v22 =	vld [tilespmem:s20+$0xFFFFFF00]  }
0x13a: {  	v23 =	vld [tilespmem:s19+$0xFFFFFF10]  }
0x13b: {  	v45 =	vld [tilespmem:s20+$0xFFFFFF10]  }
0x13c: {  	v46 =	vld [tilespmem:s19+$0xFFFFFF20]  }
0x13d: {  	v47 =	vld [tilespmem:s20+$0xFFFFFF20];
	_ =	sdelay $0x1  }
0x13e: {  	v48 =	vld [tilespmem:s19+$0xFFFFFF30]  }
0x13f: {  	v21 =	vmul.f32 v22, v21;
	v22 =	vld [tilespmem:s20+$0xFFFFFF30]  }
0x140: {  	v23 =	vmul.f32 v45, v23  }
0x141: {  	v49 =	vmul.f32 v47, v46  }
0x142: {  	v21 =	vmul.f32 v21, v16;
	v23 =	vmul.f32 v23, v17;
	_ =	sdelay $0x1  }
0x143: {  	v21 =	vadd.f32 v23, v21;
	v23 =	vmul.f32 v49, v18;
	v22 =	vmul.f32 v22, v48;
	_ =	sdelay $0x1  }
0x144: {  	v21 =	vadd.f32 v23, v21;
	v22 =	vmul.f32 v22, v19;
	_ =	sdelay $0x1  }
0x145: {  	v21 =	vadd.f32 v22, v21;
	_ =	sdelay $0x1  }
0x146: {  	[tilespmem:$0x10780] =	vst v21  }
0x147: {  	v21 =	vld [tilespmem:s19+$0xFFFFFF80]  }
0x148: {  	v22 =	vld [tilespmem:s20+$0xFFFFFF80]  }
0x149: {  	v23 =	vld [tilespmem:s19+$0xFFFFFF90]  }
0x14a: {  	v50 =	vld [tilespmem:s20+$0xFFFFFF90]  }
0x14b: {  	v51 =	vld [tilespmem:s19+$0xFFFFFFA0]  }
0x14c: {  	v52 =	vld [tilespmem:s20+$0xFFFFFFA0];
	_ =	sdelay $0x1  }
0x14d: {  	v53 =	vld [tilespmem:s19+$0xFFFFFFB0]  }
0x14e: {  	v21 =	vmul.f32 v22, v21;
	v22 =	vld [tilespmem:s20+$0xFFFFFFB0]  }
0x14f: {  	v23 =	vmul.f32 v50, v23  }
0x150: {  	v54 =	vmul.f32 v52, v51  }
0x151: {  	v21 =	vmul.f32 v21, v16;
	v23 =	vmul.f32 v23, v17;
	_ =	sdelay $0x1  }
0x152: {  	v21 =	vadd.f32 v23, v21;
	v23 =	vmul.f32 v54, v18;
	v22 =	vmul.f32 v22, v53;
	_ =	sdelay $0x1  }
0x153: {  	v21 =	vadd.f32 v23, v21;
	v22 =	vmul.f32 v22, v19;
	_ =	sdelay $0x1  }
0x154: {  	v21 =	vadd.f32 v22, v21;
	_ =	sdelay $0x1  }
0x155: {  	[tilespmem:$0x10800] =	vst v21  }
0x156: {  	v21 =	vld [tilespmem:s19+$0x0]  }
0x157: {  	v22 =	vld [tilespmem:s20+$0x0]  }
0x158: {  	v23 =	vld [tilespmem:s19+$0x10]  }
0x159: {  	v55 =	vld [tilespmem:s20+$0x10]  }
0x15a: {  	v56 =	vld [tilespmem:s19+$0x20]  }
0x15b: {  	v57 =	vld [tilespmem:s20+$0x20];
	_ =	sdelay $0x1  }
0x15c: {  	v58 =	vld [tilespmem:s19+$0x30]  }
0x15d: {  	v21 =	vmul.f32 v22, v21;
	v22 =	vld [tilespmem:s20+$0x30]  }
0x15e: {  	v23 =	vmul.f32 v55, v23  }
0x15f: {  	v59 =	vmul.f32 v57, v56  }
0x160: {  	v21 =	vmul.f32 v21, v16;
	v23 =	vmul.f32 v23, v17;
	_ =	sdelay $0x1  }
0x161: {  	v21 =	vadd.f32 v23, v21;
	v23 =	vmul.f32 v59, v18;
	v22 =	vmul.f32 v22, v58;
	_ =	sdelay $0x1  }
0x162: {  	v21 =	vadd.f32 v23, v21;
	v22 =	vmul.f32 v22, v19;
	_ =	sdelay $0x1  }
0x163: {  	v21 =	vadd.f32 v22, v21;
	_ =	sdelay $0x1  }
0x164: {  	[tilespmem:$0x10880] =	vst v21  }
0x165: {  	v21 =	vld [tilespmem:s19+$0x80]  }
0x166: {  	v22 =	vld [tilespmem:s20+$0x80]  }
0x167: {  	v23 =	vld [tilespmem:s19+$0x90]  }
0x168: {  	v60 =	vld [tilespmem:s20+$0x90]  }
0x169: {  	v61 =	vld [tilespmem:s19+$0xA0]  }
0x16a: {  	v62 =	vld [tilespmem:s20+$0xA0];
	_ =	sdelay $0x1  }
0x16b: {  	v63 =	vld [tilespmem:s19+$0xB0]  }
0x16c: {  	v21 =	vmul.f32 v22, v21;
	v22 =	vld [tilespmem:s20+$0xB0]  }
0x16d: {  	v23 =	vmul.f32 v60, v23  }
0x16e: {  	v29 =	vmul.f32 v62, v61  }
0x16f: {  	v21 =	vmul.f32 v21, v16;
	v23 =	vmul.f32 v23, v17;
	_ =	sdelay $0x1  }
0x170: {  	v21 =	vadd.f32 v23, v21;
	v23 =	vmul.f32 v29, v18;
	v22 =	vmul.f32 v22, v63;
	_ =	sdelay $0x1  }
0x171: {  	v21 =	vadd.f32 v23, v21;
	v22 =	vmul.f32 v22, v19;
	_ =	sdelay $0x1  }
0x172: {  	v21 =	vadd.f32 v22, v21;
	_ =	sdelay $0x1  }
0x173: {  	[tilespmem:$0x10900] =	vst v21  }
0x174: {  	v21 =	vld [tilespmem:s19+$0x100]  }
0x175: {  	v22 =	vld [tilespmem:s20+$0x100]  }
0x176: {  	v23 =	vld [tilespmem:s19+$0x110]  }
0x177: {  	v30 =	vld [tilespmem:s20+$0x110]  }
0x178: {  	v31 =	vld [tilespmem:s19+$0x120]  }
0x179: {  	v32 =	vld [tilespmem:s20+$0x120];
	_ =	sdelay $0x1  }
0x17a: {  	v33 =	vld [tilespmem:s19+$0x130]  }
0x17b: {  	v21 =	vmul.f32 v22, v21;
	v22 =	vld [tilespmem:s20+$0x130]  }
0x17c: {  	v23 =	vmul.f32 v30, v23  }
0x17d: {  	v34 =	vmul.f32 v32, v31  }
0x17e: {  	v21 =	vmul.f32 v21, v16;
	v23 =	vmul.f32 v23, v17;
	_ =	sdelay $0x1  }
0x17f: {  	v21 =	vadd.f32 v23, v21;
	v23 =	vmul.f32 v34, v18;
	v22 =	vmul.f32 v22, v33;
	_ =	sdelay $0x1  }
0x180: {  	v21 =	vadd.f32 v23, v21;
	v22 =	vmul.f32 v22, v19;
	_ =	sdelay $0x1  }
0x181: {  	v21 =	vadd.f32 v22, v21;
	_ =	sdelay $0x1  }
0x182: {  	[tilespmem:$0x10980] =	vst v21  }
0x183: {  	v21 =	vld [tilespmem:s19+$0x180]  }
0x184: {  	v22 =	vld [tilespmem:s20+$0x180]  }
0x185: {  	v23 =	vld [tilespmem:s19+$0x190]  }
0x186: {  	v35 =	vld [tilespmem:s20+$0x190]  }
0x187: {  	v36 =	vld [tilespmem:s19+$0x1A0]  }
0x188: {  	v37 =	vld [tilespmem:s20+$0x1A0];
	_ =	sdelay $0x1  }
0x189: {  	v38 =	vld [tilespmem:s19+$0x1B0]  }
0x18a: {  	v21 =	vmul.f32 v22, v21;
	v22 =	vld [tilespmem:s20+$0x1B0]  }
0x18b: {  	v23 =	vmul.f32 v35, v23  }
0x18c: {  	v39 =	vmul.f32 v37, v36  }
0x18d: {  	v21 =	vmul.f32 v21, v16;
	v23 =	vmul.f32 v23, v17;
	_ =	sdelay $0x1  }
0x18e: {  	v21 =	vadd.f32 v23, v21;
	v23 =	vmul.f32 v39, v18;
	v22 =	vmul.f32 v22, v38;
	_ =	sdelay $0x1  }
0x18f: {  	v21 =	vadd.f32 v23, v21;
	v22 =	vmul.f32 v22, v19;
	_ =	sdelay $0x1  }
0x190: {  	v21 =	vadd.f32 v22, v21;
	_ =	sdelay $0x1  }
0x191: {  	[tilespmem:$0x10A00] =	vst v21  }
0x192: {  	v21 =	vld [tilespmem:s19+$0x200]  }
0x193: {  	v22 =	vld [tilespmem:s20+$0x200]  }
0x194: {  	v23 =	vld [tilespmem:s19+$0x210]  }
0x195: {  	v40 =	vld [tilespmem:s20+$0x210]  }
0x196: {  	v41 =	vld [tilespmem:s19+$0x220]  }
0x197: {  	v42 =	vld [tilespmem:s20+$0x220];
	_ =	sdelay $0x1  }
0x198: {  	v43 =	vld [tilespmem:s19+$0x230]  }
0x199: {  	v21 =	vmul.f32 v22, v21;
	v22 =	vld [tilespmem:s20+$0x230]  }
0x19a: {  	v23 =	vmul.f32 v40, v23  }
0x19b: {  	v44 =	vmul.f32 v42, v41  }
0x19c: {  	v21 =	vmul.f32 v21, v16;
	v23 =	vmul.f32 v23, v17;
	_ =	sdelay $0x1  }
0x19d: {  	v21 =	vadd.f32 v23, v21;
	v23 =	vmul.f32 v44, v18;
	v22 =	vmul.f32 v22, v43;
	_ =	sdelay $0x1  }
0x19e: {  	v21 =	vadd.f32 v23, v21;
	v22 =	vmul.f32 v22, v19;
	_ =	sdelay $0x1  }
0x19f: {  	v21 =	vadd.f32 v22, v21;
	_ =	sdelay $0x1  }
0x1a0: {  	[tilespmem:$0x10A80] =	vst v21  }
0x1a1: {  	v21 =	vld [tilespmem:s19+$0x280]  }
0x1a2: {  	v22 =	vld [tilespmem:s20+$0x280]  }
0x1a3: {  	v23 =	vld [tilespmem:s19+$0x290]  }
0x1a4: {  	v45 =	vld [tilespmem:s20+$0x290]  }
0x1a5: {  	v46 =	vld [tilespmem:s19+$0x2A0]  }
0x1a6: {  	v47 =	vld [tilespmem:s20+$0x2A0];
	_ =	sdelay $0x1  }
0x1a7: {  	v48 =	vld [tilespmem:s19+$0x2B0]  }
0x1a8: {  	v21 =	vmul.f32 v22, v21;
	v22 =	vld [tilespmem:s20+$0x2B0]  }
0x1a9: {  	v23 =	vmul.f32 v45, v23  }
0x1aa: {  	v49 =	vmul.f32 v47, v46  }
0x1ab: {  	v21 =	vmul.f32 v21, v16;
	v23 =	vmul.f32 v23, v17;
	_ =	sdelay $0x1  }
0x1ac: {  	v21 =	vadd.f32 v23, v21;
	v23 =	vmul.f32 v49, v18;
	v22 =	vmul.f32 v22, v48;
	_ =	sdelay $0x1  }
0x1ad: {  	v21 =	vadd.f32 v23, v21;
	v22 =	vmul.f32 v22, v19;
	_ =	sdelay $0x1  }
0x1ae: {  	v21 =	vadd.f32 v22, v21;
	_ =	sdelay $0x1  }
0x1af: {  	[tilespmem:$0x10B00] =	vst v21  }
0x1b0: {  	v21 =	vld [tilespmem:s19+$0x300]  }
0x1b1: {  	v22 =	vld [tilespmem:s20+$0x300]  }
0x1b2: {  	v23 =	vld [tilespmem:s19+$0x310]  }
0x1b3: {  	v50 =	vld [tilespmem:s20+$0x310]  }
0x1b4: {  	v51 =	vld [tilespmem:s19+$0x320]  }
0x1b5: {  	v52 =	vld [tilespmem:s20+$0x320];
	_ =	sdelay $0x1  }
0x1b6: {  	v53 =	vld [tilespmem:s19+$0x330]  }
0x1b7: {  	v21 =	vmul.f32 v22, v21;
	v22 =	vld [tilespmem:s20+$0x330]  }
0x1b8: {  	v23 =	vmul.f32 v50, v23  }
0x1b9: {  	v54 =	vmul.f32 v52, v51  }
0x1ba: {  	v21 =	vmul.f32 v21, v16;
	v23 =	vmul.f32 v23, v17;
	_ =	sdelay $0x1  }
0x1bb: {  	v21 =	vadd.f32 v23, v21;
	v23 =	vmul.f32 v54, v18;
	v22 =	vmul.f32 v22, v53;
	_ =	sdelay $0x1  }
0x1bc: {  	v21 =	vadd.f32 v23, v21;
	v22 =	vmul.f32 v22, v19;
	_ =	sdelay $0x1  }
0x1bd: {  	v21 =	vadd.f32 v22, v21;
	_ =	sdelay $0x1  }
0x1be: {  	[tilespmem:$0x10B80] =	vst v21  }
0x1bf: {  	v21 =	vld [tilespmem:s19+$0x380]  }
0x1c0: {  	v22 =	vld [tilespmem:s20+$0x380]  }
0x1c1: {  	v23 =	vld [tilespmem:s19+$0x390]  }
0x1c2: {  	v55 =	vld [tilespmem:s20+$0x390]  }
0x1c3: {  	v56 =	vld [tilespmem:s19+$0x3A0]  }
0x1c4: {  	v57 =	vld [tilespmem:s20+$0x3A0];
	_ =	sdelay $0x1  }
0x1c5: {  	v58 =	vld [tilespmem:s19+$0x3B0]  }
0x1c6: {  	v28 =	vld [tilespmem:s20+$0x3B0]  }
0x1c7: {  	v21 =	vmul.f32 v22, v21;
	v22 =	vmul.f32 v55, v23  }
0x1c8: {  	v23 =	vmul.f32 v57, v56  }
0x1c9: {  	v21 =	vmul.f32 v21, v16;
	v22 =	vmul.f32 v22, v17;
	_ =	sdelay $0x1  }
0x1ca: {  	v21 =	vadd.f32 v22, v21;
	v22 =	vmul.f32 v23, v18;
	v23 =	vmul.f32 v28, v58;
	_ =	sdelay $0x1  }
0x1cb: {  	v21 =	vadd.f32 v22, v21;
	v22 =	vmul.f32 v23, v19;
	_ =	sdelay $0x1  }
0x1cc: {  	v21 =	vadd.f32 v22, v21;
	_ =	sdelay $0x1  }
0x1cd: {  	[tilespmem:$0x10C00] =	vst v21  }
0x1ce: {  	v21 =	vld.idx.msk [tilespmem:v0+s3+$0x0], $0xffff;
	_ =	sdelay $0x1  }
0x1cf: {  	v22 =	vld.idx.msk [tilespmem:v1+s3+$0x0], $0xffff;
	_ =	sdelay $0x1  }
0x1d0: {  	v23 =	vld.idx.msk [tilespmem:v2+s3+$0x0], $0xffff  }
0x1d1: {  	v21 =	vadd.f32 v21, v20  }
0x1d2: {  	v59 =	vld.idx.msk [tilespmem:v3+s3+$0x0], $0xffff  }
0x1d3: {  	v21 =	vadd.f32 v22, v21  }
0x1d4: {  	v22 =	vld.idx.msk [tilespmem:v4+s3+$0x0], $0xffff  }
0x1d5: {  	v21 =	vadd.f32 v23, v21  }
0x1d6: {  	v23 =	vld.idx.msk [tilespmem:v5+s3+$0x0], $0xffff  }
0x1d7: {  	v21 =	vadd.f32 v59, v21  }
0x1d8: {  	v60 =	vld.idx.msk [tilespmem:v6+s3+$0x0], $0xffff  }
0x1d9: {  	v21 =	vadd.f32 v22, v21  }
0x1da: {  	v22 =	vld.idx.msk [tilespmem:v7+s3+$0x0], $0xffff  }
0x1db: {  	v21 =	vadd.f32 v23, v21  }
0x1dc: {  	v23 =	vld.idx.msk [tilespmem:v8+s3+$0x0], $0xffff  }
0x1dd: {  	v21 =	vadd.f32 v60, v21  }
0x1de: {  	v61 =	vld.idx.msk [tilespmem:v9+s3+$0x0], $0xffff  }
0x1df: {  	v21 =	vadd.f32 v22, v21  }
0x1e0: {  	v22 =	vld.idx.msk [tilespmem:v10+s3+$0x0], $0xffff  }
0x1e1: {  	v21 =	vadd.f32 v23, v21  }
0x1e2: {  	v23 =	vld.idx.msk [tilespmem:v11+s3+$0x0], $0xffff  }
0x1e3: {  	v21 =	vadd.f32 v61, v21  }
0x1e4: {  	v62 =	vld.idx.msk [tilespmem:v12+s3+$0x0], $0xffff  }
0x1e5: {  	v21 =	vadd.f32 v22, v21  }
0x1e6: {  	v22 =	vld.idx.msk [tilespmem:v13+s3+$0x0], $0xffff  }
0x1e7: {  	v21 =	vadd.f32 v23, v21  }
0x1e8: {  	v23 =	vld.idx.msk [tilespmem:v14+s3+$0x0], $0xffff  }
0x1e9: {  	v21 =	vadd.f32 v62, v21  }
0x1ea: {  	v63 =	vld.idx.msk [tilespmem:v15+s3+$0x0], $0xffff  }
0x1eb: {  	v21 =	vadd.f32 v22, v21  }
0x1ec: {  	p1 =	sne.s32 s18, $0xF0  }
.Ltmp1:
0x1ed: {  	v21 =	vadd.f32 v23, v21;
	(pc) =	sbr.rel @p1 .LBB2_5-.Ltmp1, $4  }
0x1ee: {  	s0 =	sand.u32 $0x80, s18  }
0x1ef: {  	s1 =	sand.u32 $0x70, s18;
	s0 =	sadd.s32 s0, s17;
	v21 =	vadd.f32 v63, v21  }
0x1f0: {  	s0 =	sadd.s32 s1, s0  }
0x1f1: {  	s18 =	sadd.s32 $0x10, s18;
	s19 =	sadd.s32 $0x800, s19;
	s20 =	sadd.s32 $0x800, s20;
	[tilespmem:s0+$0x0] =	vst v21  }
.Ltmp2:
0x1f2: {  	(pc) =	sbr.rel @p0 .LBB2_2-.Ltmp2, $2  }
0x1f3: {  	_ =	sdelay $0x2  }
0x1f4: {  	s0 =	simm.s32 $0x100;
	p1 =	por $0x0, $0x0  }
0x1f5: {  	s0 =	rddreg [dreg:$0x11];
	s1 =	simm.s32 $0x10C80  }
0x1f6: {  	[hbm4b:s0+s2] =	stream.linear.scatter [tilespmem:s1], [sflag:$0x2], $0x200, $0x38;
	[tilespmem:$0x10E80] =	vst v63  }
0x1f7: {  	s1 =	simm.s32 $0x2  }
0x1f8: {  	_ =	swait.ge [sflag:s1], $0x200  }
0x1f9: {  	s3 =	rddreg [dreg:$0x13]  }
0x1fa: {  	s31 =	rddreg [dreg:$0x12];
	s3 =	sadd.s32 $0x1, s3  }
0x1fb: {  	p0 =	sne.s32 s3, s31  }
.Ltmp3:
0x1fc: {  	_ = 	snop;
	(pc) =	sbr.rel @p0 .LBB2_1-.Ltmp3, $3  }
0x1fd: {  	_ =	sdelay $0x1  }
0x1fe: {  	[sflag:s1] =	ssyncset.done $0x0  }
0x1ff: {  	[sflag:s1] =	ssyncadd.s32 $0xFFFFFE00  }
0x200: {  	_ =	sfence.sel $0x180000  }
0x201: {  	[bflag:$0x0] =	sbarrier.arrive $0xFFFF  }
0x202: {  	_ =	strace $0x90000047  }
0x203: {  	s0 =	stileid.u32;
	[bflag:$0x2] =	sbarrier.arrive $0xFFFF  }
0x204: {  	p0 =	sne.s32 s0, $0x0;
	s0 =	rddreg [dreg:$0x5]  }
0x205: {  	s0 =	sadd.s32 @!p0 $0x100000, s0  }
0x206: {  	[sflag:s0] =	ssyncadd.tile.s32 @!p0 $0x1;
	_ =	shalt  }
.Lfunc_end2:
_tile_overlayer_lowered:
.L_overlay_start_2:
0x207: {  	(tag) =	ssettag $0x2  }
0x208: {  	s0 =	rddreg [dreg:$0x0];
	s2 =	stileid.u32  }
0x209: {  	s1 =	rddreg [dreg:$0x1];
	p0 =	sne.s32 s2, $0x0  }
0x20a: {  	s3 =	rddreg [dreg:$0x2];
	[bflag:$0x3] =	sbarrier.arrive $0xFFFF;
	s2 =	simm.s32 @!p0 $0x1C02  }
0x20b: {  	[timem:s3], [sflag:s2] =	dma.local @!p0 [hbm:s0], s1  }
0x20c: {  	s0 =	simm.s32 @!p0 $0x2  }
0x20d: {  	_ =	swait.ge @!p0 [sflag:s0], s1  }
0x20e: {  	s1 =	ssub.s32 @!p0 $0x0, s1;
	[sflag:s0] =	ssyncset.done @!p0 $0x0  }
0x20f: {  	[sflag:s0] =	ssyncadd.s32 @!p0 s1  }
0x210: {  	[bflag:$0x3] =	sbarrier.arrive $0xFFFF  }
0x211: {  	_ =	shalt  }

</sc_bundles>
